<compile_context>
chip_gen: v7x
topology: tpu7x:2x2x1
jax: 0.10.2.dev20260603
libtpu: 0.0.44.dev20260713+nightly
codegen_flags: <defaults>
</compile_context>

<pallas_src>
import functools

import jax
import jax.numpy as jnp
from jax import lax
from jax.experimental import pallas as pl
from jax.experimental.pallas import tpu as pltpu
from jax.experimental.pallas import tpu_sc as plsc

_B, _T, _K = 32, 4096, 256
_L = 16
_TC = 64
_CHUNK_W = _TC * _K
_NCHUNK = _T // _TC
_NBUF = 4


def _positions(idx_v, g, k):
    io = lax.iota(jnp.int32, _L)
    tok = g * _TC + k * _L + io
    src = jnp.minimum(tok + 1, _T - 1)
    s = plsc.load_gather(idx_v, [src])
    s = s + jnp.where(tok + 1 > _T - 1, 1, 0)
    s = jnp.where(s > _K - 1, 0, s)
    return (k * _L + io) * _K + s


def _sc_body(inp_hbm, out_hbm, idx_v, buf0, buf1, buf2, buf3,
             sem0, sem1, sem2, sem3):
    wid = lax.axis_index("s") * 2 + lax.axis_index("c")
    bufs = (buf0, buf1, buf2, buf3)
    sems = (sem0, sem1, sem2, sem3)
    ones = jnp.full((_L,), 1.0, jnp.float32)
    zeros = jnp.zeros((_L,), jnp.float32)

    pltpu.sync_copy(inp_hbm.at[pl.ds(wid * _T, _T)], idx_v)

    def _zero(i, _):
        buf0[pl.ds(i * _L, _L)] = zeros
        buf1[pl.ds(i * _L, _L)] = zeros
        buf2[pl.ds(i * _L, _L)] = zeros
        buf3[pl.ds(i * _L, _L)] = zeros
        return 0
    lax.fori_loop(0, _CHUNK_W // _L, _zero, 0)

    out_base = wid * (_T * _K)

    def _fire(g, b):
        for k in range(_TC // _L):
            plsc.store_scatter(bufs[b], [_positions(idx_v, g, k)], ones)
        return pltpu.make_async_copy(
            bufs[b],
            out_hbm.at[pl.ds(out_base + g * _CHUNK_W, _CHUNK_W)],
            sems[b],
        )

    for b in range(_NBUF):
        _fire(jnp.int32(b), b).start()

    def _step(q, _):
        for b in range(_NBUF):
            g = q * _NBUF + b
            pltpu.make_async_copy(
                bufs[b],
                out_hbm.at[pl.ds(out_base + (g - _NBUF) * _CHUNK_W, _CHUNK_W)],
                sems[b],
            ).wait()
            for k in range(_TC // _L):
                plsc.store_scatter(bufs[b], [_positions(idx_v, g - _NBUF, k)], zeros)
            _fire(g, b).start()
        return 0

    lax.fori_loop(1, _NCHUNK // _NBUF, _step, 0)

    for b in range(_NBUF):
        g = _NCHUNK - _NBUF + b
        pltpu.make_async_copy(
            bufs[b],
            out_hbm.at[pl.ds(out_base + g * _CHUNK_W, _CHUNK_W)],
            sems[b],
        ).wait()


def kernel(inputs):
    B, T = inputs.shape
    flat = inputs.astype(jnp.int32).reshape(B * T)
    run = pl.kernel(
        _sc_body,
        mesh=plsc.VectorSubcoreMesh(core_axis_name="c", subcore_axis_name="s"),
        compiler_params=pltpu.CompilerParams(needs_layout_passes=False),
        out_type=jax.ShapeDtypeStruct((_B * _T * _K,), jnp.float32),
        scratch_types=[
            pltpu.VMEM((_T,), jnp.int32),
            pltpu.VMEM((_CHUNK_W,), jnp.float32),
            pltpu.VMEM((_CHUNK_W,), jnp.float32),
            pltpu.VMEM((_CHUNK_W,), jnp.float32),
            pltpu.VMEM((_CHUNK_W,), jnp.float32),
            pltpu.SemaphoreType.DMA,
            pltpu.SemaphoreType.DMA,
            pltpu.SemaphoreType.DMA,
            pltpu.SemaphoreType.DMA,
        ],
    )
    return run(flat).reshape(B, T, _K)

# --- scband reference (transcript-rebuilt; emitter-appended) ---
"""Pipeline reference for scband-model-mock-72146860638765 (READ-ONLY COPY).

The authoritative reference and input builder live on the scoring server;
editing this copy changes nothing except your own understanding.
"""

import jax, jax.numpy as jnp
import numpy as np

def setup_inputs(seed: int = 0) -> dict:
    key = jax.random.key(seed)
    inputs = jax.random.randint(key, (32, 4096), 0, 256, dtype=jnp.int64)
    return {"inputs": inputs}

def reference(inputs):
    # Per-sample (mask=None path of forward_one):
    #   flatten, shift-left by one with last element+1 appended,
    #   zero out values > 255, one-hot to 256 classes, stack over batch.
    shifted = jnp.concatenate([inputs[:, 1:], inputs[:, -1:] + 1], axis=-1)
    shifted = jnp.where(shifted > 255, 0, shifted)
    out = jax.nn.one_hot(shifted, 256, dtype=jnp.float32)
    return out

if __name__ == "__main__":
    import jax
    _d = setup_inputs()
    print(jax.jit(kernel)(*tuple(_d.values())))

</pallas_src>

<mosaic_0001>
#map = affine_map<(d0, d1) -> (0)>
module attributes {stable_mosaic.version = 14 : i64} {
  func.func @_sc_body(%arg0: i32, %arg1: i32, %arg2: memref<131072xi32, #tpu.memory_space<hbm>>, %arg3: memref<33554432xf32, #tpu.memory_space<hbm>>, %arg4: memref<4096xi32, #tpu.memory_space<vmem>>, %arg5: memref<16384xf32, #tpu.memory_space<vmem>>, %arg6: memref<16384xf32, #tpu.memory_space<vmem>>, %arg7: memref<16384xf32, #tpu.memory_space<vmem>>, %arg8: memref<16384xf32, #tpu.memory_space<vmem>>, %arg9: memref<!tpu.dma_semaphore, #tpu.memory_space<semaphore_mem>>, %arg10: memref<!tpu.dma_semaphore, #tpu.memory_space<semaphore_mem>>, %arg11: memref<!tpu.dma_semaphore, #tpu.memory_space<semaphore_mem>>, %arg12: memref<!tpu.dma_semaphore, #tpu.memory_space<semaphore_mem>>) attributes {dimension_semantics = [#tpu.dimension_semantics<core_parallel>, #tpu.dimension_semantics<subcore_parallel>], iteration_bounds = array<i64: 2, 16>, scalar_prefetch = 0 : i64, scratch_operands = 9 : i64, tpu.core_type = #tpu.core_type<sc_vector_subcore>, window_params = [{transform_indices = #map}, {transform_indices = #map}]} {
    %mul3A = arith.constant 2 : i32
    %mul3A_0 = arith.muli %arg1, %mul3A : i32
    %add3A = arith.addi %mul3A_0, %arg0 : i32
    %broadcast_in_dim3A = arith.constant 1.000000e+00 : f32
    %broadcast_in_dim3A_1 = vector.broadcast %broadcast_in_dim3A : f32 to vector<16xf32>
    %broadcast_in_dim3A_2 = arith.constant 0.000000e+00 : f32
    %broadcast_in_dim3A_3 = vector.broadcast %broadcast_in_dim3A_2 : f32 to vector<16xf32>
    %mul3A_4 = arith.constant 4096 : i32
    %mul3A_5 = arith.muli %add3A, %mul3A_4 : i32
    "tpu.region"() ({
      %run_scoped3A = tpu.sem_alloc : memref<!tpu.dma_semaphore, #tpu.memory_space<semaphore_mem>>
      %dma_start3A_693 = tpu.memref_slice %arg2[%mul3A_5] : memref<131072xi32, #tpu.memory_space<hbm>> -> memref<4096xi32, #tpu.memory_space<hbm>>
      %dma_start3A_694 = tpu.memref_slice %arg2[%mul3A_5] : memref<131072xi32, #tpu.memory_space<hbm>> -> memref<4096xi32, #tpu.memory_space<hbm>>
      tpu.enqueue_dma source(%dma_start3A_694 : memref<4096xi32, #tpu.memory_space<hbm>>) target(%arg4 : memref<4096xi32, #tpu.memory_space<vmem>>) target_semaphore(%run_scoped3A : memref<!tpu.dma_semaphore, #tpu.memory_space<semaphore_mem>>)
      %dma_wait3A_695 = tpu.memref_slice %arg2[%mul3A_5] : memref<131072xi32, #tpu.memory_space<hbm>> -> memref<4096xi32, #tpu.memory_space<hbm>>
      %dma_wait3A_696 = tpu.memref_slice %arg2[%mul3A_5] : memref<131072xi32, #tpu.memory_space<hbm>> -> memref<4096xi32, #tpu.memory_space<hbm>>
      tpu.wait_dma2 semaphore(%run_scoped3A : memref<!tpu.dma_semaphore, #tpu.memory_space<semaphore_mem>>) src(%dma_wait3A_696 : memref<4096xi32, #tpu.memory_space<hbm>>) dst(%arg4 : memref<4096xi32, #tpu.memory_space<vmem>>)
      tpu.yield
    }) : () -> ()
    %scan3A = arith.constant 0 : i32
    %scan3A_6 = arith.constant 0 : i32
    %scan3A_7 = arith.constant 1024 : i32
    %scan3A_8 = arith.addi %scan3A_6, %scan3A_7 : i32
    %scan3A_9 = arith.constant 1 : i32
    %scan3A_10 = scf.for %scan3A_693 = %scan3A_6 to %scan3A_8 step %scan3A_9 iter_args(%scan3A_694 = %scan3A) -> (i32)  : i32 {
      %mul3A_695 = arith.constant 16 : i32
      %mul3A_696 = arith.muli %scan3A_693, %mul3A_695 : i32
      %swap3A = arith.index_cast %mul3A_696 : i32 to index
      %swap3A_697 = tpu.vector_load %arg5[%swap3A] {strides = array<i32>} : memref<16384xf32, #tpu.memory_space<vmem>>, vector<16xf32>,
      tpu.vector_store %arg5[%swap3A], %broadcast_in_dim3A_3 {strides = array<i32>} : memref<16384xf32, #tpu.memory_space<vmem>>, vector<16xf32>,
      %mul3A_698 = arith.constant 16 : i32
      %mul3A_699 = arith.muli %scan3A_693, %mul3A_698 : i32
      %swap3A_700 = arith.index_cast %mul3A_699 : i32 to index
      %swap3A_701 = tpu.vector_load %arg6[%swap3A_700] {strides = array<i32>} : memref<16384xf32, #tpu.memory_space<vmem>>, vector<16xf32>,
      tpu.vector_store %arg6[%swap3A_700], %broadcast_in_dim3A_3 {strides = array<i32>} : memref<16384xf32, #tpu.memory_space<vmem>>, vector<16xf32>,
      %mul3A_702 = arith.constant 16 : i32
      %mul3A_703 = arith.muli %scan3A_693, %mul3A_702 : i32
      %swap3A_704 = arith.index_cast %mul3A_703 : i32 to index
      %swap3A_705 = tpu.vector_load %arg7[%swap3A_704] {strides = array<i32>} : memref<16384xf32, #tpu.memory_space<vmem>>, vector<16xf32>,
      tpu.vector_store %arg7[%swap3A_704], %broadcast_in_dim3A_3 {strides = array<i32>} : memref<16384xf32, #tpu.memory_space<vmem>>, vector<16xf32>,
      %mul3A_706 = arith.constant 16 : i32
      %mul3A_707 = arith.muli %scan3A_693, %mul3A_706 : i32
      %swap3A_708 = arith.index_cast %mul3A_707 : i32 to index
      %swap3A_709 = tpu.vector_load %arg8[%swap3A_708] {strides = array<i32>} : memref<16384xf32, #tpu.memory_space<vmem>>, vector<16xf32>,
      tpu.vector_store %arg8[%swap3A_708], %broadcast_in_dim3A_3 {strides = array<i32>} : memref<16384xf32, #tpu.memory_space<vmem>>, vector<16xf32>,
      %scan3A_710 = arith.constant 0 : i32
      scf.yield %scan3A_710 : i32
    }
    %scan3A_11 = arith.constant 1024 : i32
    %mul3A_12 = arith.constant 1048576 : i32
    %mul3A_13 = arith.muli %add3A, %mul3A_12 : i32
    %iota3A = tpu.iota {dimensions = array<i32: 0>} : vector<16xi32>
    %mul3A_14 = arith.constant 0 : i32
    %mul3A_15 = arith.constant 64 : i32
    %mul3A_16 = arith.muli %mul3A_14, %mul3A_15 : i32
    %add3A_17 = arith.constant 0 : i32
    %add3A_18 = arith.addi %mul3A_16, %add3A_17 : i32
    %add3A_19 = vector.broadcast %add3A_18 : i32 to vector<16xi32>
    %add3A_20 = arith.addi %add3A_19, %iota3A : vector<16xi32>
    %add3A_21 = arith.constant 1 : i32
    %add3A_22 = vector.broadcast %add3A_21 : i32 to vector<16xi32>
    %add3A_23 = arith.addi %add3A_20, %add3A_22 : vector<16xi32>
    %min3A = arith.constant 4095 : i32
    %min3A_24 = vector.broadcast %min3A : i32 to vector<16xi32>
    %min3A_25 = arith.minsi %add3A_23, %min3A_24 : vector<16xi32>
    %gather3A = tpu.vector_load_idx %arg4[%min3A_25] : memref<4096xi32, #tpu.memory_space<vmem>>[vector<16xi32>], vector<16xi32>,
    %add3A_26 = arith.constant 1 : i32
    %add3A_27 = vector.broadcast %add3A_26 : i32 to vector<16xi32>
    %add3A_28 = arith.addi %add3A_20, %add3A_27 : vector<16xi32>
    %gt3A = arith.constant 4095 : i32
    %gt3A_29 = vector.broadcast %gt3A : i32 to vector<16xi32>
    %gt3A_30 = arith.cmpi sgt, %add3A_28, %gt3A_29 : vector<16xi32>
    %jit3A = arith.constant 1 : i32
    %jit3A_31 = arith.constant 0 : i32
    %broadcast_in_dim3A_32 = vector.broadcast %jit3A : i32 to vector<16xi32>
    %broadcast_in_dim3A_33 = vector.broadcast %jit3A_31 : i32 to vector<16xi32>
    %select_n3A = arith.select %gt3A_30, %broadcast_in_dim3A_32, %broadcast_in_dim3A_33 : vector<16xi1>, vector<16xi32>
    %add3A_34 = arith.addi %gather3A, %select_n3A : vector<16xi32>
    %gt3A_35 = arith.constant 255 : i32
    %gt3A_36 = vector.broadcast %gt3A_35 : i32 to vector<16xi32>
    %gt3A_37 = arith.cmpi sgt, %add3A_34, %gt3A_36 : vector<16xi32>
    %jit3A_38 = arith.constant 0 : i32
    %broadcast_in_dim3A_39 = vector.broadcast %jit3A_38 : i32 to vector<16xi32>
    %select_n3A_40 = arith.select %gt3A_37, %broadcast_in_dim3A_39, %add3A_34 : vector<16xi1>, vector<16xi32>
    %add3A_41 = arith.constant 0 : i32
    %add3A_42 = vector.broadcast %add3A_41 : i32 to vector<16xi32>
    %add3A_43 = arith.addi %add3A_42, %iota3A : vector<16xi32>
    %mul3A_44 = arith.constant 256 : i32
    %mul3A_45 = vector.broadcast %mul3A_44 : i32 to vector<16xi32>
    %mul3A_46 = arith.muli %add3A_43, %mul3A_45 : vector<16xi32>
    %add3A_47 = arith.addi %mul3A_46, %select_n3A_40 : vector<16xi32>
    tpu.vector_store_idx %arg5[%add3A_47], %broadcast_in_dim3A_1 : memref<16384xf32, #tpu.memory_space<vmem>>[vector<16xi32>], vector<16xf32>,
    %iota3A_48 = tpu.iota {dimensions = array<i32: 0>} : vector<16xi32>
    %mul3A_49 = arith.constant 0 : i32
    %mul3A_50 = arith.constant 64 : i32
    %mul3A_51 = arith.muli %mul3A_49, %mul3A_50 : i32
    %add3A_52 = arith.constant 16 : i32
    %add3A_53 = arith.addi %mul3A_51, %add3A_52 : i32
    %add3A_54 = vector.broadcast %add3A_53 : i32 to vector<16xi32>
    %add3A_55 = arith.addi %add3A_54, %iota3A_48 : vector<16xi32>
    %add3A_56 = arith.constant 1 : i32
    %add3A_57 = vector.broadcast %add3A_56 : i32 to vector<16xi32>
    %add3A_58 = arith.addi %add3A_55, %add3A_57 : vector<16xi32>
    %min3A_59 = arith.constant 4095 : i32
    %min3A_60 = vector.broadcast %min3A_59 : i32 to vector<16xi32>
    %min3A_61 = arith.minsi %add3A_58, %min3A_60 : vector<16xi32>
    %gather3A_62 = tpu.vector_load_idx %arg4[%min3A_61] : memref<4096xi32, #tpu.memory_space<vmem>>[vector<16xi32>], vector<16xi32>,
    %add3A_63 = arith.constant 1 : i32
    %add3A_64 = vector.broadcast %add3A_63 : i32 to vector<16xi32>
    %add3A_65 = arith.addi %add3A_55, %add3A_64 : vector<16xi32>
    %gt3A_66 = arith.constant 4095 : i32
    %gt3A_67 = vector.broadcast %gt3A_66 : i32 to vector<16xi32>
    %gt3A_68 = arith.cmpi sgt, %add3A_65, %gt3A_67 : vector<16xi32>
    %jit3A_69 = arith.constant 1 : i32
    %jit3A_70 = arith.constant 0 : i32
    %broadcast_in_dim3A_71 = vector.broadcast %jit3A_69 : i32 to vector<16xi32>
    %broadcast_in_dim3A_72 = vector.broadcast %jit3A_70 : i32 to vector<16xi32>
    %select_n3A_73 = arith.select %gt3A_68, %broadcast_in_dim3A_71, %broadcast_in_dim3A_72 : vector<16xi1>, vector<16xi32>
    %add3A_74 = arith.addi %gather3A_62, %select_n3A_73 : vector<16xi32>
    %gt3A_75 = arith.constant 255 : i32
    %gt3A_76 = vector.broadcast %gt3A_75 : i32 to vector<16xi32>
    %gt3A_77 = arith.cmpi sgt, %add3A_74, %gt3A_76 : vector<16xi32>
    %jit3A_78 = arith.constant 0 : i32
    %broadcast_in_dim3A_79 = vector.broadcast %jit3A_78 : i32 to vector<16xi32>
    %select_n3A_80 = arith.select %gt3A_77, %broadcast_in_dim3A_79, %add3A_74 : vector<16xi1>, vector<16xi32>
    %add3A_81 = arith.constant 16 : i32
    %add3A_82 = vector.broadcast %add3A_81 : i32 to vector<16xi32>
    %add3A_83 = arith.addi %add3A_82, %iota3A_48 : vector<16xi32>
    %mul3A_84 = arith.constant 256 : i32
    %mul3A_85 = vector.broadcast %mul3A_84 : i32 to vector<16xi32>
    %mul3A_86 = arith.muli %add3A_83, %mul3A_85 : vector<16xi32>
    %add3A_87 = arith.addi %mul3A_86, %select_n3A_80 : vector<16xi32>
    tpu.vector_store_idx %arg5[%add3A_87], %broadcast_in_dim3A_1 : memref<16384xf32, #tpu.memory_space<vmem>>[vector<16xi32>], vector<16xf32>,
    %iota3A_88 = tpu.iota {dimensions = array<i32: 0>} : vector<16xi32>
    %mul3A_89 = arith.constant 0 : i32
    %mul3A_90 = arith.constant 64 : i32
    %mul3A_91 = arith.muli %mul3A_89, %mul3A_90 : i32
    %add3A_92 = arith.constant 32 : i32
    %add3A_93 = arith.addi %mul3A_91, %add3A_92 : i32
    %add3A_94 = vector.broadcast %add3A_93 : i32 to vector<16xi32>
    %add3A_95 = arith.addi %add3A_94, %iota3A_88 : vector<16xi32>
    %add3A_96 = arith.constant 1 : i32
    %add3A_97 = vector.broadcast %add3A_96 : i32 to vector<16xi32>
    %add3A_98 = arith.addi %add3A_95, %add3A_97 : vector<16xi32>
    %min3A_99 = arith.constant 4095 : i32
    %min3A_100 = vector.broadcast %min3A_99 : i32 to vector<16xi32>
    %min3A_101 = arith.minsi %add3A_98, %min3A_100 : vector<16xi32>
    %gather3A_102 = tpu.vector_load_idx %arg4[%min3A_101] : memref<4096xi32, #tpu.memory_space<vmem>>[vector<16xi32>], vector<16xi32>,
    %add3A_103 = arith.constant 1 : i32
    %add3A_104 = vector.broadcast %add3A_103 : i32 to vector<16xi32>
    %add3A_105 = arith.addi %add3A_95, %add3A_104 : vector<16xi32>
    %gt3A_106 = arith.constant 4095 : i32
    %gt3A_107 = vector.broadcast %gt3A_106 : i32 to vector<16xi32>
    %gt3A_108 = arith.cmpi sgt, %add3A_105, %gt3A_107 : vector<16xi32>
    %jit3A_109 = arith.constant 1 : i32
    %jit3A_110 = arith.constant 0 : i32
    %broadcast_in_dim3A_111 = vector.broadcast %jit3A_109 : i32 to vector<16xi32>
    %broadcast_in_dim3A_112 = vector.broadcast %jit3A_110 : i32 to vector<16xi32>
    %select_n3A_113 = arith.select %gt3A_108, %broadcast_in_dim3A_111, %broadcast_in_dim3A_112 : vector<16xi1>, vector<16xi32>
    %add3A_114 = arith.addi %gather3A_102, %select_n3A_113 : vector<16xi32>
    %gt3A_115 = arith.constant 255 : i32
    %gt3A_116 = vector.broadcast %gt3A_115 : i32 to vector<16xi32>
    %gt3A_117 = arith.cmpi sgt, %add3A_114, %gt3A_116 : vector<16xi32>
    %jit3A_118 = arith.constant 0 : i32
    %broadcast_in_dim3A_119 = vector.broadcast %jit3A_118 : i32 to vector<16xi32>
    %select_n3A_120 = arith.select %gt3A_117, %broadcast_in_dim3A_119, %add3A_114 : vector<16xi1>, vector<16xi32>
    %add3A_121 = arith.constant 32 : i32
    %add3A_122 = vector.broadcast %add3A_121 : i32 to vector<16xi32>
    %add3A_123 = arith.addi %add3A_122, %iota3A_88 : vector<16xi32>
    %mul3A_124 = arith.constant 256 : i32
    %mul3A_125 = vector.broadcast %mul3A_124 : i32 to vector<16xi32>
    %mul3A_126 = arith.muli %add3A_123, %mul3A_125 : vector<16xi32>
    %add3A_127 = arith.addi %mul3A_126, %select_n3A_120 : vector<16xi32>
    tpu.vector_store_idx %arg5[%add3A_127], %broadcast_in_dim3A_1 : memref<16384xf32, #tpu.memory_space<vmem>>[vector<16xi32>], vector<16xf32>,
    %iota3A_128 = tpu.iota {dimensions = array<i32: 0>} : vector<16xi32>
    %mul3A_129 = arith.constant 0 : i32
    %mul3A_130 = arith.constant 64 : i32
    %mul3A_131 = arith.muli %mul3A_129, %mul3A_130 : i32
    %add3A_132 = arith.constant 48 : i32
    %add3A_133 = arith.addi %mul3A_131, %add3A_132 : i32
    %add3A_134 = vector.broadcast %add3A_133 : i32 to vector<16xi32>
    %add3A_135 = arith.addi %add3A_134, %iota3A_128 : vector<16xi32>
    %add3A_136 = arith.constant 1 : i32
    %add3A_137 = vector.broadcast %add3A_136 : i32 to vector<16xi32>
    %add3A_138 = arith.addi %add3A_135, %add3A_137 : vector<16xi32>
    %min3A_139 = arith.constant 4095 : i32
    %min3A_140 = vector.broadcast %min3A_139 : i32 to vector<16xi32>
    %min3A_141 = arith.minsi %add3A_138, %min3A_140 : vector<16xi32>
    %gather3A_142 = tpu.vector_load_idx %arg4[%min3A_141] : memref<4096xi32, #tpu.memory_space<vmem>>[vector<16xi32>], vector<16xi32>,
    %add3A_143 = arith.constant 1 : i32
    %add3A_144 = vector.broadcast %add3A_143 : i32 to vector<16xi32>
    %add3A_145 = arith.addi %add3A_135, %add3A_144 : vector<16xi32>
    %gt3A_146 = arith.constant 4095 : i32
    %gt3A_147 = vector.broadcast %gt3A_146 : i32 to vector<16xi32>
    %gt3A_148 = arith.cmpi sgt, %add3A_145, %gt3A_147 : vector<16xi32>
    %jit3A_149 = arith.constant 1 : i32
    %jit3A_150 = arith.constant 0 : i32
    %broadcast_in_dim3A_151 = vector.broadcast %jit3A_149 : i32 to vector<16xi32>
    %broadcast_in_dim3A_152 = vector.broadcast %jit3A_150 : i32 to vector<16xi32>
    %select_n3A_153 = arith.select %gt3A_148, %broadcast_in_dim3A_151, %broadcast_in_dim3A_152 : vector<16xi1>, vector<16xi32>
    %add3A_154 = arith.addi %gather3A_142, %select_n3A_153 : vector<16xi32>
    %gt3A_155 = arith.constant 255 : i32
    %gt3A_156 = vector.broadcast %gt3A_155 : i32 to vector<16xi32>
    %gt3A_157 = arith.cmpi sgt, %add3A_154, %gt3A_156 : vector<16xi32>
    %jit3A_158 = arith.constant 0 : i32
    %broadcast_in_dim3A_159 = vector.broadcast %jit3A_158 : i32 to vector<16xi32>
    %select_n3A_160 = arith.select %gt3A_157, %broadcast_in_dim3A_159, %add3A_154 : vector<16xi1>, vector<16xi32>
    %add3A_161 = arith.constant 48 : i32
    %add3A_162 = vector.broadcast %add3A_161 : i32 to vector<16xi32>
    %add3A_163 = arith.addi %add3A_162, %iota3A_128 : vector<16xi32>
    %mul3A_164 = arith.constant 256 : i32
    %mul3A_165 = vector.broadcast %mul3A_164 : i32 to vector<16xi32>
    %mul3A_166 = arith.muli %add3A_163, %mul3A_165 : vector<16xi32>
    %add3A_167 = arith.addi %mul3A_166, %select_n3A_160 : vector<16xi32>
    tpu.vector_store_idx %arg5[%add3A_167], %broadcast_in_dim3A_1 : memref<16384xf32, #tpu.memory_space<vmem>>[vector<16xi32>], vector<16xf32>,
    %mul3A_168 = arith.constant 0 : i32
    %mul3A_169 = arith.constant 16384 : i32
    %mul3A_170 = arith.muli %mul3A_168, %mul3A_169 : i32
    %add3A_171 = arith.addi %mul3A_13, %mul3A_170 : i32
    %dma_start3A = tpu.memref_slice %arg3[%add3A_171] : memref<33554432xf32, #tpu.memory_space<hbm>> -> memref<16384xf32, #tpu.memory_space<hbm>>
    %dma_start3A_172 = tpu.memref_slice %arg3[%add3A_171] : memref<33554432xf32, #tpu.memory_space<hbm>> -> memref<16384xf32, #tpu.memory_space<hbm>>
    tpu.enqueue_dma source(%arg5 : memref<16384xf32, #tpu.memory_space<vmem>>) target(%dma_start3A_172 : memref<16384xf32, #tpu.memory_space<hbm>>) target_semaphore(%arg9 : memref<!tpu.dma_semaphore, #tpu.memory_space<semaphore_mem>>)
    %iota3A_173 = tpu.iota {dimensions = array<i32: 0>} : vector<16xi32>
    %mul3A_174 = arith.constant 1 : i32
    %mul3A_175 = arith.constant 64 : i32
    %mul3A_176 = arith.muli %mul3A_174, %mul3A_175 : i32
    %add3A_177 = arith.constant 0 : i32
    %add3A_178 = arith.addi %mul3A_176, %add3A_177 : i32
    %add3A_179 = vector.broadcast %add3A_178 : i32 to vector<16xi32>
    %add3A_180 = arith.addi %add3A_179, %iota3A_173 : vector<16xi32>
    %add3A_181 = arith.constant 1 : i32
    %add3A_182 = vector.broadcast %add3A_181 : i32 to vector<16xi32>
    %add3A_183 = arith.addi %add3A_180, %add3A_182 : vector<16xi32>
    %min3A_184 = arith.constant 4095 : i32
    %min3A_185 = vector.broadcast %min3A_184 : i32 to vector<16xi32>
    %min3A_186 = arith.minsi %add3A_183, %min3A_185 : vector<16xi32>
    %gather3A_187 = tpu.vector_load_idx %arg4[%min3A_186] : memref<4096xi32, #tpu.memory_space<vmem>>[vector<16xi32>], vector<16xi32>,
    %add3A_188 = arith.constant 1 : i32
    %add3A_189 = vector.broadcast %add3A_188 : i32 to vector<16xi32>
    %add3A_190 = arith.addi %add3A_180, %add3A_189 : vector<16xi32>
    %gt3A_191 = arith.constant 4095 : i32
    %gt3A_192 = vector.broadcast %gt3A_191 : i32 to vector<16xi32>
    %gt3A_193 = arith.cmpi sgt, %add3A_190, %gt3A_192 : vector<16xi32>
    %jit3A_194 = arith.constant 1 : i32
    %jit3A_195 = arith.constant 0 : i32
    %broadcast_in_dim3A_196 = vector.broadcast %jit3A_194 : i32 to vector<16xi32>
    %broadcast_in_dim3A_197 = vector.broadcast %jit3A_195 : i32 to vector<16xi32>
    %select_n3A_198 = arith.select %gt3A_193, %broadcast_in_dim3A_196, %broadcast_in_dim3A_197 : vector<16xi1>, vector<16xi32>
    %add3A_199 = arith.addi %gather3A_187, %select_n3A_198 : vector<16xi32>
    %gt3A_200 = arith.constant 255 : i32
    %gt3A_201 = vector.broadcast %gt3A_200 : i32 to vector<16xi32>
    %gt3A_202 = arith.cmpi sgt, %add3A_199, %gt3A_201 : vector<16xi32>
    %jit3A_203 = arith.constant 0 : i32
    %broadcast_in_dim3A_204 = vector.broadcast %jit3A_203 : i32 to vector<16xi32>
    %select_n3A_205 = arith.select %gt3A_202, %broadcast_in_dim3A_204, %add3A_199 : vector<16xi1>, vector<16xi32>
    %add3A_206 = arith.constant 0 : i32
    %add3A_207 = vector.broadcast %add3A_206 : i32 to vector<16xi32>
    %add3A_208 = arith.addi %add3A_207, %iota3A_173 : vector<16xi32>
    %mul3A_209 = arith.constant 256 : i32
    %mul3A_210 = vector.broadcast %mul3A_209 : i32 to vector<16xi32>
    %mul3A_211 = arith.muli %add3A_208, %mul3A_210 : vector<16xi32>
    %add3A_212 = arith.addi %mul3A_211, %select_n3A_205 : vector<16xi32>
    tpu.vector_store_idx %arg6[%add3A_212], %broadcast_in_dim3A_1 : memref<16384xf32, #tpu.memory_space<vmem>>[vector<16xi32>], vector<16xf32>,
    %iota3A_213 = tpu.iota {dimensions = array<i32: 0>} : vector<16xi32>
    %mul3A_214 = arith.constant 1 : i32
    %mul3A_215 = arith.constant 64 : i32
    %mul3A_216 = arith.muli %mul3A_214, %mul3A_215 : i32
    %add3A_217 = arith.constant 16 : i32
    %add3A_218 = arith.addi %mul3A_216, %add3A_217 : i32
    %add3A_219 = vector.broadcast %add3A_218 : i32 to vector<16xi32>
    %add3A_220 = arith.addi %add3A_219, %iota3A_213 : vector<16xi32>
    %add3A_221 = arith.constant 1 : i32
    %add3A_222 = vector.broadcast %add3A_221 : i32 to vector<16xi32>
    %add3A_223 = arith.addi %add3A_220, %add3A_222 : vector<16xi32>
    %min3A_224 = arith.constant 4095 : i32
    %min3A_225 = vector.broadcast %min3A_224 : i32 to vector<16xi32>
    %min3A_226 = arith.minsi %add3A_223, %min3A_225 : vector<16xi32>
    %gather3A_227 = tpu.vector_load_idx %arg4[%min3A_226] : memref<4096xi32, #tpu.memory_space<vmem>>[vector<16xi32>], vector<16xi32>,
    %add3A_228 = arith.constant 1 : i32
    %add3A_229 = vector.broadcast %add3A_228 : i32 to vector<16xi32>
    %add3A_230 = arith.addi %add3A_220, %add3A_229 : vector<16xi32>
    %gt3A_231 = arith.constant 4095 : i32
    %gt3A_232 = vector.broadcast %gt3A_231 : i32 to vector<16xi32>
    %gt3A_233 = arith.cmpi sgt, %add3A_230, %gt3A_232 : vector<16xi32>
    %jit3A_234 = arith.constant 1 : i32
    %jit3A_235 = arith.constant 0 : i32
    %broadcast_in_dim3A_236 = vector.broadcast %jit3A_234 : i32 to vector<16xi32>
    %broadcast_in_dim3A_237 = vector.broadcast %jit3A_235 : i32 to vector<16xi32>
    %select_n3A_238 = arith.select %gt3A_233, %broadcast_in_dim3A_236, %broadcast_in_dim3A_237 : vector<16xi1>, vector<16xi32>
    %add3A_239 = arith.addi %gather3A_227, %select_n3A_238 : vector<16xi32>
    %gt3A_240 = arith.constant 255 : i32
    %gt3A_241 = vector.broadcast %gt3A_240 : i32 to vector<16xi32>
    %gt3A_242 = arith.cmpi sgt, %add3A_239, %gt3A_241 : vector<16xi32>
    %jit3A_243 = arith.constant 0 : i32
    %broadcast_in_dim3A_244 = vector.broadcast %jit3A_243 : i32 to vector<16xi32>
    %select_n3A_245 = arith.select %gt3A_242, %broadcast_in_dim3A_244, %add3A_239 : vector<16xi1>, vector<16xi32>
    %add3A_246 = arith.constant 16 : i32
    %add3A_247 = vector.broadcast %add3A_246 : i32 to vector<16xi32>
    %add3A_248 = arith.addi %add3A_247, %iota3A_213 : vector<16xi32>
    %mul3A_249 = arith.constant 256 : i32
    %mul3A_250 = vector.broadcast %mul3A_249 : i32 to vector<16xi32>
    %mul3A_251 = arith.muli %add3A_248, %mul3A_250 : vector<16xi32>
    %add3A_252 = arith.addi %mul3A_251, %select_n3A_245 : vector<16xi32>
    tpu.vector_store_idx %arg6[%add3A_252], %broadcast_in_dim3A_1 : memref<16384xf32, #tpu.memory_space<vmem>>[vector<16xi32>], vector<16xf32>,
    %iota3A_253 = tpu.iota {dimensions = array<i32: 0>} : vector<16xi32>
    %mul3A_254 = arith.constant 1 : i32
    %mul3A_255 = arith.constant 64 : i32
    %mul3A_256 = arith.muli %mul3A_254, %mul3A_255 : i32
    %add3A_257 = arith.constant 32 : i32
    %add3A_258 = arith.addi %mul3A_256, %add3A_257 : i32
    %add3A_259 = vector.broadcast %add3A_258 : i32 to vector<16xi32>
    %add3A_260 = arith.addi %add3A_259, %iota3A_253 : vector<16xi32>
    %add3A_261 = arith.constant 1 : i32
    %add3A_262 = vector.broadcast %add3A_261 : i32 to vector<16xi32>
    %add3A_263 = arith.addi %add3A_260, %add3A_262 : vector<16xi32>
    %min3A_264 = arith.constant 4095 : i32
    %min3A_265 = vector.broadcast %min3A_264 : i32 to vector<16xi32>
    %min3A_266 = arith.minsi %add3A_263, %min3A_265 : vector<16xi32>
    %gather3A_267 = tpu.vector_load_idx %arg4[%min3A_266] : memref<4096xi32, #tpu.memory_space<vmem>>[vector<16xi32>], vector<16xi32>,
    %add3A_268 = arith.constant 1 : i32
    %add3A_269 = vector.broadcast %add3A_268 : i32 to vector<16xi32>
    %add3A_270 = arith.addi %add3A_260, %add3A_269 : vector<16xi32>
    %gt3A_271 = arith.constant 4095 : i32
    %gt3A_272 = vector.broadcast %gt3A_271 : i32 to vector<16xi32>
    %gt3A_273 = arith.cmpi sgt, %add3A_270, %gt3A_272 : vector<16xi32>
    %jit3A_274 = arith.constant 1 : i32
    %jit3A_275 = arith.constant 0 : i32
    %broadcast_in_dim3A_276 = vector.broadcast %jit3A_274 : i32 to vector<16xi32>
    %broadcast_in_dim3A_277 = vector.broadcast %jit3A_275 : i32 to vector<16xi32>
    %select_n3A_278 = arith.select %gt3A_273, %broadcast_in_dim3A_276, %broadcast_in_dim3A_277 : vector<16xi1>, vector<16xi32>
    %add3A_279 = arith.addi %gather3A_267, %select_n3A_278 : vector<16xi32>
    %gt3A_280 = arith.constant 255 : i32
    %gt3A_281 = vector.broadcast %gt3A_280 : i32 to vector<16xi32>
    %gt3A_282 = arith.cmpi sgt, %add3A_279, %gt3A_281 : vector<16xi32>
    %jit3A_283 = arith.constant 0 : i32
    %broadcast_in_dim3A_284 = vector.broadcast %jit3A_283 : i32 to vector<16xi32>
    %select_n3A_285 = arith.select %gt3A_282, %broadcast_in_dim3A_284, %add3A_279 : vector<16xi1>, vector<16xi32>
    %add3A_286 = arith.constant 32 : i32
    %add3A_287 = vector.broadcast %add3A_286 : i32 to vector<16xi32>
    %add3A_288 = arith.addi %add3A_287, %iota3A_253 : vector<16xi32>
    %mul3A_289 = arith.constant 256 : i32
    %mul3A_290 = vector.broadcast %mul3A_289 : i32 to vector<16xi32>
    %mul3A_291 = arith.muli %add3A_288, %mul3A_290 : vector<16xi32>
    %add3A_292 = arith.addi %mul3A_291, %select_n3A_285 : vector<16xi32>
    tpu.vector_store_idx %arg6[%add3A_292], %broadcast_in_dim3A_1 : memref<16384xf32, #tpu.memory_space<vmem>>[vector<16xi32>], vector<16xf32>,
    %iota3A_293 = tpu.iota {dimensions = array<i32: 0>} : vector<16xi32>
    %mul3A_294 = arith.constant 1 : i32
    %mul3A_295 = arith.constant 64 : i32
    %mul3A_296 = arith.muli %mul3A_294, %mul3A_295 : i32
    %add3A_297 = arith.constant 48 : i32
    %add3A_298 = arith.addi %mul3A_296, %add3A_297 : i32
    %add3A_299 = vector.broadcast %add3A_298 : i32 to vector<16xi32>
    %add3A_300 = arith.addi %add3A_299, %iota3A_293 : vector<16xi32>
    %add3A_301 = arith.constant 1 : i32
    %add3A_302 = vector.broadcast %add3A_301 : i32 to vector<16xi32>
    %add3A_303 = arith.addi %add3A_300, %add3A_302 : vector<16xi32>
    %min3A_304 = arith.constant 4095 : i32
    %min3A_305 = vector.broadcast %min3A_304 : i32 to vector<16xi32>
    %min3A_306 = arith.minsi %add3A_303, %min3A_305 : vector<16xi32>
    %gather3A_307 = tpu.vector_load_idx %arg4[%min3A_306] : memref<4096xi32, #tpu.memory_space<vmem>>[vector<16xi32>], vector<16xi32>,
    %add3A_308 = arith.constant 1 : i32
    %add3A_309 = vector.broadcast %add3A_308 : i32 to vector<16xi32>
    %add3A_310 = arith.addi %add3A_300, %add3A_309 : vector<16xi32>
    %gt3A_311 = arith.constant 4095 : i32
    %gt3A_312 = vector.broadcast %gt3A_311 : i32 to vector<16xi32>
    %gt3A_313 = arith.cmpi sgt, %add3A_310, %gt3A_312 : vector<16xi32>
    %jit3A_314 = arith.constant 1 : i32
    %jit3A_315 = arith.constant 0 : i32
    %broadcast_in_dim3A_316 = vector.broadcast %jit3A_314 : i32 to vector<16xi32>
    %broadcast_in_dim3A_317 = vector.broadcast %jit3A_315 : i32 to vector<16xi32>
    %select_n3A_318 = arith.select %gt3A_313, %broadcast_in_dim3A_316, %broadcast_in_dim3A_317 : vector<16xi1>, vector<16xi32>
    %add3A_319 = arith.addi %gather3A_307, %select_n3A_318 : vector<16xi32>
    %gt3A_320 = arith.constant 255 : i32
    %gt3A_321 = vector.broadcast %gt3A_320 : i32 to vector<16xi32>
    %gt3A_322 = arith.cmpi sgt, %add3A_319, %gt3A_321 : vector<16xi32>
    %jit3A_323 = arith.constant 0 : i32
    %broadcast_in_dim3A_324 = vector.broadcast %jit3A_323 : i32 to vector<16xi32>
    %select_n3A_325 = arith.select %gt3A_322, %broadcast_in_dim3A_324, %add3A_319 : vector<16xi1>, vector<16xi32>
    %add3A_326 = arith.constant 48 : i32
    %add3A_327 = vector.broadcast %add3A_326 : i32 to vector<16xi32>
    %add3A_328 = arith.addi %add3A_327, %iota3A_293 : vector<16xi32>
    %mul3A_329 = arith.constant 256 : i32
    %mul3A_330 = vector.broadcast %mul3A_329 : i32 to vector<16xi32>
    %mul3A_331 = arith.muli %add3A_328, %mul3A_330 : vector<16xi32>
    %add3A_332 = arith.addi %mul3A_331, %select_n3A_325 : vector<16xi32>
    tpu.vector_store_idx %arg6[%add3A_332], %broadcast_in_dim3A_1 : memref<16384xf32, #tpu.memory_space<vmem>>[vector<16xi32>], vector<16xf32>,
    %mul3A_333 = arith.constant 1 : i32
    %mul3A_334 = arith.constant 16384 : i32
    %mul3A_335 = arith.muli %mul3A_333, %mul3A_334 : i32
    %add3A_336 = arith.addi %mul3A_13, %mul3A_335 : i32
    %dma_start3A_337 = tpu.memref_slice %arg3[%add3A_336] : memref<33554432xf32, #tpu.memory_space<hbm>> -> memref<16384xf32, #tpu.memory_space<hbm>>
    %dma_start3A_338 = tpu.memref_slice %arg3[%add3A_336] : memref<33554432xf32, #tpu.memory_space<hbm>> -> memref<16384xf32, #tpu.memory_space<hbm>>
    tpu.enqueue_dma source(%arg6 : memref<16384xf32, #tpu.memory_space<vmem>>) target(%dma_start3A_338 : memref<16384xf32, #tpu.memory_space<hbm>>) target_semaphore(%arg10 : memref<!tpu.dma_semaphore, #tpu.memory_space<semaphore_mem>>)
    %iota3A_339 = tpu.iota {dimensions = array<i32: 0>} : vector<16xi32>
    %mul3A_340 = arith.constant 2 : i32
    %mul3A_341 = arith.constant 64 : i32
    %mul3A_342 = arith.muli %mul3A_340, %mul3A_341 : i32
    %add3A_343 = arith.constant 0 : i32
    %add3A_344 = arith.addi %mul3A_342, %add3A_343 : i32
    %add3A_345 = vector.broadcast %add3A_344 : i32 to vector<16xi32>
    %add3A_346 = arith.addi %add3A_345, %iota3A_339 : vector<16xi32>
    %add3A_347 = arith.constant 1 : i32
    %add3A_348 = vector.broadcast %add3A_347 : i32 to vector<16xi32>
    %add3A_349 = arith.addi %add3A_346, %add3A_348 : vector<16xi32>
    %min3A_350 = arith.constant 4095 : i32
    %min3A_351 = vector.broadcast %min3A_350 : i32 to vector<16xi32>
    %min3A_352 = arith.minsi %add3A_349, %min3A_351 : vector<16xi32>
    %gather3A_353 = tpu.vector_load_idx %arg4[%min3A_352] : memref<4096xi32, #tpu.memory_space<vmem>>[vector<16xi32>], vector<16xi32>,
    %add3A_354 = arith.constant 1 : i32
    %add3A_355 = vector.broadcast %add3A_354 : i32 to vector<16xi32>
    %add3A_356 = arith.addi %add3A_346, %add3A_355 : vector<16xi32>
    %gt3A_357 = arith.constant 4095 : i32
    %gt3A_358 = vector.broadcast %gt3A_357 : i32 to vector<16xi32>
    %gt3A_359 = arith.cmpi sgt, %add3A_356, %gt3A_358 : vector<16xi32>
    %jit3A_360 = arith.constant 1 : i32
    %jit3A_361 = arith.constant 0 : i32
    %broadcast_in_dim3A_362 = vector.broadcast %jit3A_360 : i32 to vector<16xi32>
    %broadcast_in_dim3A_363 = vector.broadcast %jit3A_361 : i32 to vector<16xi32>
    %select_n3A_364 = arith.select %gt3A_359, %broadcast_in_dim3A_362, %broadcast_in_dim3A_363 : vector<16xi1>, vector<16xi32>
    %add3A_365 = arith.addi %gather3A_353, %select_n3A_364 : vector<16xi32>
    %gt3A_366 = arith.constant 255 : i32
    %gt3A_367 = vector.broadcast %gt3A_366 : i32 to vector<16xi32>
    %gt3A_368 = arith.cmpi sgt, %add3A_365, %gt3A_367 : vector<16xi32>
    %jit3A_369 = arith.constant 0 : i32
    %broadcast_in_dim3A_370 = vector.broadcast %jit3A_369 : i32 to vector<16xi32>
    %select_n3A_371 = arith.select %gt3A_368, %broadcast_in_dim3A_370, %add3A_365 : vector<16xi1>, vector<16xi32>
    %add3A_372 = arith.constant 0 : i32
    %add3A_373 = vector.broadcast %add3A_372 : i32 to vector<16xi32>
    %add3A_374 = arith.addi %add3A_373, %iota3A_339 : vector<16xi32>
    %mul3A_375 = arith.constant 256 : i32
    %mul3A_376 = vector.broadcast %mul3A_375 : i32 to vector<16xi32>
    %mul3A_377 = arith.muli %add3A_374, %mul3A_376 : vector<16xi32>
    %add3A_378 = arith.addi %mul3A_377, %select_n3A_371 : vector<16xi32>
    tpu.vector_store_idx %arg7[%add3A_378], %broadcast_in_dim3A_1 : memref<16384xf32, #tpu.memory_space<vmem>>[vector<16xi32>], vector<16xf32>,
    %iota3A_379 = tpu.iota {dimensions = array<i32: 0>} : vector<16xi32>
    %mul3A_380 = arith.constant 2 : i32
    %mul3A_381 = arith.constant 64 : i32
    %mul3A_382 = arith.muli %mul3A_380, %mul3A_381 : i32
    %add3A_383 = arith.constant 16 : i32
    %add3A_384 = arith.addi %mul3A_382, %add3A_383 : i32
    %add3A_385 = vector.broadcast %add3A_384 : i32 to vector<16xi32>
    %add3A_386 = arith.addi %add3A_385, %iota3A_379 : vector<16xi32>
    %add3A_387 = arith.constant 1 : i32
    %add3A_388 = vector.broadcast %add3A_387 : i32 to vector<16xi32>
    %add3A_389 = arith.addi %add3A_386, %add3A_388 : vector<16xi32>
    %min3A_390 = arith.constant 4095 : i32
    %min3A_391 = vector.broadcast %min3A_390 : i32 to vector<16xi32>
    %min3A_392 = arith.minsi %add3A_389, %min3A_391 : vector<16xi32>
    %gather3A_393 = tpu.vector_load_idx %arg4[%min3A_392] : memref<4096xi32, #tpu.memory_space<vmem>>[vector<16xi32>], vector<16xi32>,
    %add3A_394 = arith.constant 1 : i32
    %add3A_395 = vector.broadcast %add3A_394 : i32 to vector<16xi32>
    %add3A_396 = arith.addi %add3A_386, %add3A_395 : vector<16xi32>
    %gt3A_397 = arith.constant 4095 : i32
    %gt3A_398 = vector.broadcast %gt3A_397 : i32 to vector<16xi32>
    %gt3A_399 = arith.cmpi sgt, %add3A_396, %gt3A_398 : vector<16xi32>
    %jit3A_400 = arith.constant 1 : i32
    %jit3A_401 = arith.constant 0 : i32
    %broadcast_in_dim3A_402 = vector.broadcast %jit3A_400 : i32 to vector<16xi32>
    %broadcast_in_dim3A_403 = vector.broadcast %jit3A_401 : i32 to vector<16xi32>
    %select_n3A_404 = arith.select %gt3A_399, %broadcast_in_dim3A_402, %broadcast_in_dim3A_403 : vector<16xi1>, vector<16xi32>
    %add3A_405 = arith.addi %gather3A_393, %select_n3A_404 : vector<16xi32>
    %gt3A_406 = arith.constant 255 : i32
    %gt3A_407 = vector.broadcast %gt3A_406 : i32 to vector<16xi32>
    %gt3A_408 = arith.cmpi sgt, %add3A_405, %gt3A_407 : vector<16xi32>
    %jit3A_409 = arith.constant 0 : i32
    %broadcast_in_dim3A_410 = vector.broadcast %jit3A_409 : i32 to vector<16xi32>
    %select_n3A_411 = arith.select %gt3A_408, %broadcast_in_dim3A_410, %add3A_405 : vector<16xi1>, vector<16xi32>
    %add3A_412 = arith.constant 16 : i32
    %add3A_413 = vector.broadcast %add3A_412 : i32 to vector<16xi32>
    %add3A_414 = arith.addi %add3A_413, %iota3A_379 : vector<16xi32>
    %mul3A_415 = arith.constant 256 : i32
    %mul3A_416 = vector.broadcast %mul3A_415 : i32 to vector<16xi32>
    %mul3A_417 = arith.muli %add3A_414, %mul3A_416 : vector<16xi32>
    %add3A_418 = arith.addi %mul3A_417, %select_n3A_411 : vector<16xi32>
    tpu.vector_store_idx %arg7[%add3A_418], %broadcast_in_dim3A_1 : memref<16384xf32, #tpu.memory_space<vmem>>[vector<16xi32>], vector<16xf32>,
    %iota3A_419 = tpu.iota {dimensions = array<i32: 0>} : vector<16xi32>
    %mul3A_420 = arith.constant 2 : i32
    %mul3A_421 = arith.constant 64 : i32
    %mul3A_422 = arith.muli %mul3A_420, %mul3A_421 : i32
    %add3A_423 = arith.constant 32 : i32
    %add3A_424 = arith.addi %mul3A_422, %add3A_423 : i32
    %add3A_425 = vector.broadcast %add3A_424 : i32 to vector<16xi32>
    %add3A_426 = arith.addi %add3A_425, %iota3A_419 : vector<16xi32>
    %add3A_427 = arith.constant 1 : i32
    %add3A_428 = vector.broadcast %add3A_427 : i32 to vector<16xi32>
    %add3A_429 = arith.addi %add3A_426, %add3A_428 : vector<16xi32>
    %min3A_430 = arith.constant 4095 : i32
    %min3A_431 = vector.broadcast %min3A_430 : i32 to vector<16xi32>
    %min3A_432 = arith.minsi %add3A_429, %min3A_431 : vector<16xi32>
    %gather3A_433 = tpu.vector_load_idx %arg4[%min3A_432] : memref<4096xi32, #tpu.memory_space<vmem>>[vector<16xi32>], vector<16xi32>,
    %add3A_434 = arith.constant 1 : i32
    %add3A_435 = vector.broadcast %add3A_434 : i32 to vector<16xi32>
    %add3A_436 = arith.addi %add3A_426, %add3A_435 : vector<16xi32>
    %gt3A_437 = arith.constant 4095 : i32
    %gt3A_438 = vector.broadcast %gt3A_437 : i32 to vector<16xi32>
    %gt3A_439 = arith.cmpi sgt, %add3A_436, %gt3A_438 : vector<16xi32>
    %jit3A_440 = arith.constant 1 : i32
    %jit3A_441 = arith.constant 0 : i32
    %broadcast_in_dim3A_442 = vector.broadcast %jit3A_440 : i32 to vector<16xi32>
    %broadcast_in_dim3A_443 = vector.broadcast %jit3A_441 : i32 to vector<16xi32>
    %select_n3A_444 = arith.select %gt3A_439, %broadcast_in_dim3A_442, %broadcast_in_dim3A_443 : vector<16xi1>, vector<16xi32>
    %add3A_445 = arith.addi %gather3A_433, %select_n3A_444 : vector<16xi32>
    %gt3A_446 = arith.constant 255 : i32
    %gt3A_447 = vector.broadcast %gt3A_446 : i32 to vector<16xi32>
    %gt3A_448 = arith.cmpi sgt, %add3A_445, %gt3A_447 : vector<16xi32>
    %jit3A_449 = arith.constant 0 : i32
    %broadcast_in_dim3A_450 = vector.broadcast %jit3A_449 : i32 to vector<16xi32>
    %select_n3A_451 = arith.select %gt3A_448, %broadcast_in_dim3A_450, %add3A_445 : vector<16xi1>, vector<16xi32>
    %add3A_452 = arith.constant 32 : i32
    %add3A_453 = vector.broadcast %add3A_452 : i32 to vector<16xi32>
    %add3A_454 = arith.addi %add3A_453, %iota3A_419 : vector<16xi32>
    %mul3A_455 = arith.constant 256 : i32
    %mul3A_456 = vector.broadcast %mul3A_455 : i32 to vector<16xi32>
    %mul3A_457 = arith.muli %add3A_454, %mul3A_456 : vector<16xi32>
    %add3A_458 = arith.addi %mul3A_457, %select_n3A_451 : vector<16xi32>
    tpu.vector_store_idx %arg7[%add3A_458], %broadcast_in_dim3A_1 : memref<16384xf32, #tpu.memory_space<vmem>>[vector<16xi32>], vector<16xf32>,
    %iota3A_459 = tpu.iota {dimensions = array<i32: 0>} : vector<16xi32>
    %mul3A_460 = arith.constant 2 : i32
    %mul3A_461 = arith.constant 64 : i32
    %mul3A_462 = arith.muli %mul3A_460, %mul3A_461 : i32
    %add3A_463 = arith.constant 48 : i32
    %add3A_464 = arith.addi %mul3A_462, %add3A_463 : i32
    %add3A_465 = vector.broadcast %add3A_464 : i32 to vector<16xi32>
    %add3A_466 = arith.addi %add3A_465, %iota3A_459 : vector<16xi32>
    %add3A_467 = arith.constant 1 : i32
    %add3A_468 = vector.broadcast %add3A_467 : i32 to vector<16xi32>
    %add3A_469 = arith.addi %add3A_466, %add3A_468 : vector<16xi32>
    %min3A_470 = arith.constant 4095 : i32
    %min3A_471 = vector.broadcast %min3A_470 : i32 to vector<16xi32>
    %min3A_472 = arith.minsi %add3A_469, %min3A_471 : vector<16xi32>
    %gather3A_473 = tpu.vector_load_idx %arg4[%min3A_472] : memref<4096xi32, #tpu.memory_space<vmem>>[vector<16xi32>], vector<16xi32>,
    %add3A_474 = arith.constant 1 : i32
    %add3A_475 = vector.broadcast %add3A_474 : i32 to vector<16xi32>
    %add3A_476 = arith.addi %add3A_466, %add3A_475 : vector<16xi32>
    %gt3A_477 = arith.constant 4095 : i32
    %gt3A_478 = vector.broadcast %gt3A_477 : i32 to vector<16xi32>
    %gt3A_479 = arith.cmpi sgt, %add3A_476, %gt3A_478 : vector<16xi32>
    %jit3A_480 = arith.constant 1 : i32
    %jit3A_481 = arith.constant 0 : i32
    %broadcast_in_dim3A_482 = vector.broadcast %jit3A_480 : i32 to vector<16xi32>
    %broadcast_in_dim3A_483 = vector.broadcast %jit3A_481 : i32 to vector<16xi32>
    %select_n3A_484 = arith.select %gt3A_479, %broadcast_in_dim3A_482, %broadcast_in_dim3A_483 : vector<16xi1>, vector<16xi32>
    %add3A_485 = arith.addi %gather3A_473, %select_n3A_484 : vector<16xi32>
    %gt3A_486 = arith.constant 255 : i32
    %gt3A_487 = vector.broadcast %gt3A_486 : i32 to vector<16xi32>
    %gt3A_488 = arith.cmpi sgt, %add3A_485, %gt3A_487 : vector<16xi32>
    %jit3A_489 = arith.constant 0 : i32
    %broadcast_in_dim3A_490 = vector.broadcast %jit3A_489 : i32 to vector<16xi32>
    %select_n3A_491 = arith.select %gt3A_488, %broadcast_in_dim3A_490, %add3A_485 : vector<16xi1>, vector<16xi32>
    %add3A_492 = arith.constant 48 : i32
    %add3A_493 = vector.broadcast %add3A_492 : i32 to vector<16xi32>
    %add3A_494 = arith.addi %add3A_493, %iota3A_459 : vector<16xi32>
    %mul3A_495 = arith.constant 256 : i32
    %mul3A_496 = vector.broadcast %mul3A_495 : i32 to vector<16xi32>
    %mul3A_497 = arith.muli %add3A_494, %mul3A_496 : vector<16xi32>
    %add3A_498 = arith.addi %mul3A_497, %select_n3A_491 : vector<16xi32>
    tpu.vector_store_idx %arg7[%add3A_498], %broadcast_in_dim3A_1 : memref<16384xf32, #tpu.memory_space<vmem>>[vector<16xi32>], vector<16xf32>,
    %mul3A_499 = arith.constant 2 : i32
    %mul3A_500 = arith.constant 16384 : i32
    %mul3A_501 = arith.muli %mul3A_499, %mul3A_500 : i32
    %add3A_502 = arith.addi %mul3A_13, %mul3A_501 : i32
    %dma_start3A_503 = tpu.memref_slice %arg3[%add3A_502] : memref<33554432xf32, #tpu.memory_space<hbm>> -> memref<16384xf32, #tpu.memory_space<hbm>>
    %dma_start3A_504 = tpu.memref_slice %arg3[%add3A_502] : memref<33554432xf32, #tpu.memory_space<hbm>> -> memref<16384xf32, #tpu.memory_space<hbm>>
    tpu.enqueue_dma source(%arg7 : memref<16384xf32, #tpu.memory_space<vmem>>) target(%dma_start3A_504 : memref<16384xf32, #tpu.memory_space<hbm>>) target_semaphore(%arg11 : memref<!tpu.dma_semaphore, #tpu.memory_space<semaphore_mem>>)
    %iota3A_505 = tpu.iota {dimensions = array<i32: 0>} : vector<16xi32>
    %mul3A_506 = arith.constant 3 : i32
    %mul3A_507 = arith.constant 64 : i32
    %mul3A_508 = arith.muli %mul3A_506, %mul3A_507 : i32
    %add3A_509 = arith.constant 0 : i32
    %add3A_510 = arith.addi %mul3A_508, %add3A_509 : i32
    %add3A_511 = vector.broadcast %add3A_510 : i32 to vector<16xi32>
    %add3A_512 = arith.addi %add3A_511, %iota3A_505 : vector<16xi32>
    %add3A_513 = arith.constant 1 : i32
    %add3A_514 = vector.broadcast %add3A_513 : i32 to vector<16xi32>
    %add3A_515 = arith.addi %add3A_512, %add3A_514 : vector<16xi32>
    %min3A_516 = arith.constant 4095 : i32
    %min3A_517 = vector.broadcast %min3A_516 : i32 to vector<16xi32>
    %min3A_518 = arith.minsi %add3A_515, %min3A_517 : vector<16xi32>
    %gather3A_519 = tpu.vector_load_idx %arg4[%min3A_518] : memref<4096xi32, #tpu.memory_space<vmem>>[vector<16xi32>], vector<16xi32>,
    %add3A_520 = arith.constant 1 : i32
    %add3A_521 = vector.broadcast %add3A_520 : i32 to vector<16xi32>
    %add3A_522 = arith.addi %add3A_512, %add3A_521 : vector<16xi32>
    %gt3A_523 = arith.constant 4095 : i32
    %gt3A_524 = vector.broadcast %gt3A_523 : i32 to vector<16xi32>
    %gt3A_525 = arith.cmpi sgt, %add3A_522, %gt3A_524 : vector<16xi32>
    %jit3A_526 = arith.constant 1 : i32
    %jit3A_527 = arith.constant 0 : i32
    %broadcast_in_dim3A_528 = vector.broadcast %jit3A_526 : i32 to vector<16xi32>
    %broadcast_in_dim3A_529 = vector.broadcast %jit3A_527 : i32 to vector<16xi32>
    %select_n3A_530 = arith.select %gt3A_525, %broadcast_in_dim3A_528, %broadcast_in_dim3A_529 : vector<16xi1>, vector<16xi32>
    %add3A_531 = arith.addi %gather3A_519, %select_n3A_530 : vector<16xi32>
    %gt3A_532 = arith.constant 255 : i32
    %gt3A_533 = vector.broadcast %gt3A_532 : i32 to vector<16xi32>
    %gt3A_534 = arith.cmpi sgt, %add3A_531, %gt3A_533 : vector<16xi32>
    %jit3A_535 = arith.constant 0 : i32
    %broadcast_in_dim3A_536 = vector.broadcast %jit3A_535 : i32 to vector<16xi32>
    %select_n3A_537 = arith.select %gt3A_534, %broadcast_in_dim3A_536, %add3A_531 : vector<16xi1>, vector<16xi32>
    %add3A_538 = arith.constant 0 : i32
    %add3A_539 = vector.broadcast %add3A_538 : i32 to vector<16xi32>
    %add3A_540 = arith.addi %add3A_539, %iota3A_505 : vector<16xi32>
    %mul3A_541 = arith.constant 256 : i32
    %mul3A_542 = vector.broadcast %mul3A_541 : i32 to vector<16xi32>
    %mul3A_543 = arith.muli %add3A_540, %mul3A_542 : vector<16xi32>
    %add3A_544 = arith.addi %mul3A_543, %select_n3A_537 : vector<16xi32>
    tpu.vector_store_idx %arg8[%add3A_544], %broadcast_in_dim3A_1 : memref<16384xf32, #tpu.memory_space<vmem>>[vector<16xi32>], vector<16xf32>,
    %iota3A_545 = tpu.iota {dimensions = array<i32: 0>} : vector<16xi32>
    %mul3A_546 = arith.constant 3 : i32
    %mul3A_547 = arith.constant 64 : i32
    %mul3A_548 = arith.muli %mul3A_546, %mul3A_547 : i32
    %add3A_549 = arith.constant 16 : i32
    %add3A_550 = arith.addi %mul3A_548, %add3A_549 : i32
    %add3A_551 = vector.broadcast %add3A_550 : i32 to vector<16xi32>
    %add3A_552 = arith.addi %add3A_551, %iota3A_545 : vector<16xi32>
    %add3A_553 = arith.constant 1 : i32
    %add3A_554 = vector.broadcast %add3A_553 : i32 to vector<16xi32>
    %add3A_555 = arith.addi %add3A_552, %add3A_554 : vector<16xi32>
    %min3A_556 = arith.constant 4095 : i32
    %min3A_557 = vector.broadcast %min3A_556 : i32 to vector<16xi32>
    %min3A_558 = arith.minsi %add3A_555, %min3A_557 : vector<16xi32>
    %gather3A_559 = tpu.vector_load_idx %arg4[%min3A_558] : memref<4096xi32, #tpu.memory_space<vmem>>[vector<16xi32>], vector<16xi32>,
    %add3A_560 = arith.constant 1 : i32
    %add3A_561 = vector.broadcast %add3A_560 : i32 to vector<16xi32>
    %add3A_562 = arith.addi %add3A_552, %add3A_561 : vector<16xi32>
    %gt3A_563 = arith.constant 4095 : i32
    %gt3A_564 = vector.broadcast %gt3A_563 : i32 to vector<16xi32>
    %gt3A_565 = arith.cmpi sgt, %add3A_562, %gt3A_564 : vector<16xi32>
    %jit3A_566 = arith.constant 1 : i32
    %jit3A_567 = arith.constant 0 : i32
    %broadcast_in_dim3A_568 = vector.broadcast %jit3A_566 : i32 to vector<16xi32>
    %broadcast_in_dim3A_569 = vector.broadcast %jit3A_567 : i32 to vector<16xi32>
    %select_n3A_570 = arith.select %gt3A_565, %broadcast_in_dim3A_568, %broadcast_in_dim3A_569 : vector<16xi1>, vector<16xi32>
    %add3A_571 = arith.addi %gather3A_559, %select_n3A_570 : vector<16xi32>
    %gt3A_572 = arith.constant 255 : i32
    %gt3A_573 = vector.broadcast %gt3A_572 : i32 to vector<16xi32>
    %gt3A_574 = arith.cmpi sgt, %add3A_571, %gt3A_573 : vector<16xi32>
    %jit3A_575 = arith.constant 0 : i32
    %broadcast_in_dim3A_576 = vector.broadcast %jit3A_575 : i32 to vector<16xi32>
    %select_n3A_577 = arith.select %gt3A_574, %broadcast_in_dim3A_576, %add3A_571 : vector<16xi1>, vector<16xi32>
    %add3A_578 = arith.constant 16 : i32
    %add3A_579 = vector.broadcast %add3A_578 : i32 to vector<16xi32>
    %add3A_580 = arith.addi %add3A_579, %iota3A_545 : vector<16xi32>
    %mul3A_581 = arith.constant 256 : i32
    %mul3A_582 = vector.broadcast %mul3A_581 : i32 to vector<16xi32>
    %mul3A_583 = arith.muli %add3A_580, %mul3A_582 : vector<16xi32>
    %add3A_584 = arith.addi %mul3A_583, %select_n3A_577 : vector<16xi32>
    tpu.vector_store_idx %arg8[%add3A_584], %broadcast_in_dim3A_1 : memref<16384xf32, #tpu.memory_space<vmem>>[vector<16xi32>], vector<16xf32>,
    %iota3A_585 = tpu.iota {dimensions = array<i32: 0>} : vector<16xi32>
    %mul3A_586 = arith.constant 3 : i32
    %mul3A_587 = arith.constant 64 : i32
    %mul3A_588 = arith.muli %mul3A_586, %mul3A_587 : i32
    %add3A_589 = arith.constant 32 : i32
    %add3A_590 = arith.addi %mul3A_588, %add3A_589 : i32
    %add3A_591 = vector.broadcast %add3A_590 : i32 to vector<16xi32>
    %add3A_592 = arith.addi %add3A_591, %iota3A_585 : vector<16xi32>
    %add3A_593 = arith.constant 1 : i32
    %add3A_594 = vector.broadcast %add3A_593 : i32 to vector<16xi32>
    %add3A_595 = arith.addi %add3A_592, %add3A_594 : vector<16xi32>
    %min3A_596 = arith.constant 4095 : i32
    %min3A_597 = vector.broadcast %min3A_596 : i32 to vector<16xi32>
    %min3A_598 = arith.minsi %add3A_595, %min3A_597 : vector<16xi32>
    %gather3A_599 = tpu.vector_load_idx %arg4[%min3A_598] : memref<4096xi32, #tpu.memory_space<vmem>>[vector<16xi32>], vector<16xi32>,
    %add3A_600 = arith.constant 1 : i32
    %add3A_601 = vector.broadcast %add3A_600 : i32 to vector<16xi32>
    %add3A_602 = arith.addi %add3A_592, %add3A_601 : vector<16xi32>
    %gt3A_603 = arith.constant 4095 : i32
    %gt3A_604 = vector.broadcast %gt3A_603 : i32 to vector<16xi32>
    %gt3A_605 = arith.cmpi sgt, %add3A_602, %gt3A_604 : vector<16xi32>
    %jit3A_606 = arith.constant 1 : i32
    %jit3A_607 = arith.constant 0 : i32
    %broadcast_in_dim3A_608 = vector.broadcast %jit3A_606 : i32 to vector<16xi32>
    %broadcast_in_dim3A_609 = vector.broadcast %jit3A_607 : i32 to vector<16xi32>
    %select_n3A_610 = arith.select %gt3A_605, %broadcast_in_dim3A_608, %broadcast_in_dim3A_609 : vector<16xi1>, vector<16xi32>
    %add3A_611 = arith.addi %gather3A_599, %select_n3A_610 : vector<16xi32>
    %gt3A_612 = arith.constant 255 : i32
    %gt3A_613 = vector.broadcast %gt3A_612 : i32 to vector<16xi32>
    %gt3A_614 = arith.cmpi sgt, %add3A_611, %gt3A_613 : vector<16xi32>
    %jit3A_615 = arith.constant 0 : i32
    %broadcast_in_dim3A_616 = vector.broadcast %jit3A_615 : i32 to vector<16xi32>
    %select_n3A_617 = arith.select %gt3A_614, %broadcast_in_dim3A_616, %add3A_611 : vector<16xi1>, vector<16xi32>
    %add3A_618 = arith.constant 32 : i32
    %add3A_619 = vector.broadcast %add3A_618 : i32 to vector<16xi32>
    %add3A_620 = arith.addi %add3A_619, %iota3A_585 : vector<16xi32>
    %mul3A_621 = arith.constant 256 : i32
    %mul3A_622 = vector.broadcast %mul3A_621 : i32 to vector<16xi32>
    %mul3A_623 = arith.muli %add3A_620, %mul3A_622 : vector<16xi32>
    %add3A_624 = arith.addi %mul3A_623, %select_n3A_617 : vector<16xi32>
    tpu.vector_store_idx %arg8[%add3A_624], %broadcast_in_dim3A_1 : memref<16384xf32, #tpu.memory_space<vmem>>[vector<16xi32>], vector<16xf32>,
    %iota3A_625 = tpu.iota {dimensions = array<i32: 0>} : vector<16xi32>
    %mul3A_626 = arith.constant 3 : i32
    %mul3A_627 = arith.constant 64 : i32
    %mul3A_628 = arith.muli %mul3A_626, %mul3A_627 : i32
    %add3A_629 = arith.constant 48 : i32
    %add3A_630 = arith.addi %mul3A_628, %add3A_629 : i32
    %add3A_631 = vector.broadcast %add3A_630 : i32 to vector<16xi32>
    %add3A_632 = arith.addi %add3A_631, %iota3A_625 : vector<16xi32>
    %add3A_633 = arith.constant 1 : i32
    %add3A_634 = vector.broadcast %add3A_633 : i32 to vector<16xi32>
    %add3A_635 = arith.addi %add3A_632, %add3A_634 : vector<16xi32>
    %min3A_636 = arith.constant 4095 : i32
    %min3A_637 = vector.broadcast %min3A_636 : i32 to vector<16xi32>
    %min3A_638 = arith.minsi %add3A_635, %min3A_637 : vector<16xi32>
    %gather3A_639 = tpu.vector_load_idx %arg4[%min3A_638] : memref<4096xi32, #tpu.memory_space<vmem>>[vector<16xi32>], vector<16xi32>,
    %add3A_640 = arith.constant 1 : i32
    %add3A_641 = vector.broadcast %add3A_640 : i32 to vector<16xi32>
    %add3A_642 = arith.addi %add3A_632, %add3A_641 : vector<16xi32>
    %gt3A_643 = arith.constant 4095 : i32
    %gt3A_644 = vector.broadcast %gt3A_643 : i32 to vector<16xi32>
    %gt3A_645 = arith.cmpi sgt, %add3A_642, %gt3A_644 : vector<16xi32>
    %jit3A_646 = arith.constant 1 : i32
    %jit3A_647 = arith.constant 0 : i32
    %broadcast_in_dim3A_648 = vector.broadcast %jit3A_646 : i32 to vector<16xi32>
    %broadcast_in_dim3A_649 = vector.broadcast %jit3A_647 : i32 to vector<16xi32>
    %select_n3A_650 = arith.select %gt3A_645, %broadcast_in_dim3A_648, %broadcast_in_dim3A_649 : vector<16xi1>, vector<16xi32>
    %add3A_651 = arith.addi %gather3A_639, %select_n3A_650 : vector<16xi32>
    %gt3A_652 = arith.constant 255 : i32
    %gt3A_653 = vector.broadcast %gt3A_652 : i32 to vector<16xi32>
    %gt3A_654 = arith.cmpi sgt, %add3A_651, %gt3A_653 : vector<16xi32>
    %jit3A_655 = arith.constant 0 : i32
    %broadcast_in_dim3A_656 = vector.broadcast %jit3A_655 : i32 to vector<16xi32>
    %select_n3A_657 = arith.select %gt3A_654, %broadcast_in_dim3A_656, %add3A_651 : vector<16xi1>, vector<16xi32>
    %add3A_658 = arith.constant 48 : i32
    %add3A_659 = vector.broadcast %add3A_658 : i32 to vector<16xi32>
    %add3A_660 = arith.addi %add3A_659, %iota3A_625 : vector<16xi32>
    %mul3A_661 = arith.constant 256 : i32
    %mul3A_662 = vector.broadcast %mul3A_661 : i32 to vector<16xi32>
    %mul3A_663 = arith.muli %add3A_660, %mul3A_662 : vector<16xi32>
    %add3A_664 = arith.addi %mul3A_663, %select_n3A_657 : vector<16xi32>
    tpu.vector_store_idx %arg8[%add3A_664], %broadcast_in_dim3A_1 : memref<16384xf32, #tpu.memory_space<vmem>>[vector<16xi32>], vector<16xf32>,
    %mul3A_665 = arith.constant 3 : i32
    %mul3A_666 = arith.constant 16384 : i32
    %mul3A_667 = arith.muli %mul3A_665, %mul3A_666 : i32
    %add3A_668 = arith.addi %mul3A_13, %mul3A_667 : i32
    %dma_start3A_669 = tpu.memref_slice %arg3[%add3A_668] : memref<33554432xf32, #tpu.memory_space<hbm>> -> memref<16384xf32, #tpu.memory_space<hbm>>
    %dma_start3A_670 = tpu.memref_slice %arg3[%add3A_668] : memref<33554432xf32, #tpu.memory_space<hbm>> -> memref<16384xf32, #tpu.memory_space<hbm>>
    tpu.enqueue_dma source(%arg8 : memref<16384xf32, #tpu.memory_space<vmem>>) target(%dma_start3A_670 : memref<16384xf32, #tpu.memory_space<hbm>>) target_semaphore(%arg12 : memref<!tpu.dma_semaphore, #tpu.memory_space<semaphore_mem>>)
    %scan3A_671 = arith.constant 0 : i32
    %scan3A_672 = arith.constant 1 : i32
    %scan3A_673 = arith.constant 15 : i32
    %scan3A_674 = arith.addi %scan3A_672, %scan3A_673 : i32
    %scan3A_675 = arith.constant 1 : i32
    %scan3A_676 = scf.for %scan3A_693 = %scan3A_672 to %scan3A_674 step %scan3A_675 iter_args(%scan3A_694 = %scan3A_671) -> (i32)  : i32 {
      %mul3A_695 = arith.constant 4 : i32
      %mul3A_696 = arith.muli %scan3A_693, %mul3A_695 : i32
      %add3A_697 = arith.constant 0 : i32
      %add3A_698 = arith.addi %mul3A_696, %add3A_697 : i32
      %sub3A = arith.constant 4 : i32
      %sub3A_699 = arith.subi %add3A_698, %sub3A : i32
      %mul3A_700 = arith.constant 16384 : i32
      %mul3A_701 = arith.muli %sub3A_699, %mul3A_700 : i32
      %add3A_702 = arith.addi %mul3A_13, %mul3A_701 : i32
      %dma_wait3A_703 = tpu.memref_slice %arg3[%add3A_702] : memref<33554432xf32, #tpu.memory_space<hbm>> -> memref<16384xf32, #tpu.memory_space<hbm>>
      %dma_wait3A_704 = tpu.memref_slice %arg3[%add3A_702] : memref<33554432xf32, #tpu.memory_space<hbm>> -> memref<16384xf32, #tpu.memory_space<hbm>>
      tpu.wait_dma2 semaphore(%arg9 : memref<!tpu.dma_semaphore, #tpu.memory_space<semaphore_mem>>) src(%arg5 : memref<16384xf32, #tpu.memory_space<vmem>>) dst(%dma_wait3A_704 : memref<16384xf32, #tpu.memory_space<hbm>>)
      %sub3A_705 = arith.constant 4 : i32
      %sub3A_706 = arith.subi %add3A_698, %sub3A_705 : i32
      %iota3A_707 = tpu.iota {dimensions = array<i32: 0>} : vector<16xi32>
      %mul3A_708 = arith.constant 64 : i32
      %mul3A_709 = arith.muli %sub3A_706, %mul3A_708 : i32
      %add3A_710 = arith.constant 0 : i32
      %add3A_711 = arith.addi %mul3A_709, %add3A_710 : i32
      %add3A_712 = vector.broadcast %add3A_711 : i32 to vector<16xi32>
      %add3A_713 = arith.addi %add3A_712, %iota3A_707 : vector<16xi32>
      %add3A_714 = arith.constant 1 : i32
      %add3A_715 = vector.broadcast %add3A_714 : i32 to vector<16xi32>
      %add3A_716 = arith.addi %add3A_713, %add3A_715 : vector<16xi32>
      %min3A_717 = arith.constant 4095 : i32
      %min3A_718 = vector.broadcast %min3A_717 : i32 to vector<16xi32>
      %min3A_719 = arith.minsi %add3A_716, %min3A_718 : vector<16xi32>
      %gather3A_720 = tpu.vector_load_idx %arg4[%min3A_719] : memref<4096xi32, #tpu.memory_space<vmem>>[vector<16xi32>], vector<16xi32>,
      %add3A_721 = arith.constant 1 : i32
      %add3A_722 = vector.broadcast %add3A_721 : i32 to vector<16xi32>
      %add3A_723 = arith.addi %add3A_713, %add3A_722 : vector<16xi32>
      %gt3A_724 = arith.constant 4095 : i32
      %gt3A_725 = vector.broadcast %gt3A_724 : i32 to vector<16xi32>
      %gt3A_726 = arith.cmpi sgt, %add3A_723, %gt3A_725 : vector<16xi32>
      %jit3A_727 = arith.constant 1 : i32
      %jit3A_728 = arith.constant 0 : i32
      %broadcast_in_dim3A_729 = vector.broadcast %jit3A_727 : i32 to vector<16xi32>
      %broadcast_in_dim3A_730 = vector.broadcast %jit3A_728 : i32 to vector<16xi32>
      %select_n3A_731 = arith.select %gt3A_726, %broadcast_in_dim3A_729, %broadcast_in_dim3A_730 : vector<16xi1>, vector<16xi32>
      %add3A_732 = arith.addi %gather3A_720, %select_n3A_731 : vector<16xi32>
      %gt3A_733 = arith.constant 255 : i32
      %gt3A_734 = vector.broadcast %gt3A_733 : i32 to vector<16xi32>
      %gt3A_735 = arith.cmpi sgt, %add3A_732, %gt3A_734 : vector<16xi32>
      %jit3A_736 = arith.constant 0 : i32
      %broadcast_in_dim3A_737 = vector.broadcast %jit3A_736 : i32 to vector<16xi32>
      %select_n3A_738 = arith.select %gt3A_735, %broadcast_in_dim3A_737, %add3A_732 : vector<16xi1>, vector<16xi32>
      %add3A_739 = arith.constant 0 : i32
      %add3A_740 = vector.broadcast %add3A_739 : i32 to vector<16xi32>
      %add3A_741 = arith.addi %add3A_740, %iota3A_707 : vector<16xi32>
      %mul3A_742 = arith.constant 256 : i32
      %mul3A_743 = vector.broadcast %mul3A_742 : i32 to vector<16xi32>
      %mul3A_744 = arith.muli %add3A_741, %mul3A_743 : vector<16xi32>
      %add3A_745 = arith.addi %mul3A_744, %select_n3A_738 : vector<16xi32>
      tpu.vector_store_idx %arg5[%add3A_745], %broadcast_in_dim3A_3 : memref<16384xf32, #tpu.memory_space<vmem>>[vector<16xi32>], vector<16xf32>,
      %sub3A_746 = arith.constant 4 : i32
      %sub3A_747 = arith.subi %add3A_698, %sub3A_746 : i32
      %iota3A_748 = tpu.iota {dimensions = array<i32: 0>} : vector<16xi32>
      %mul3A_749 = arith.constant 64 : i32
      %mul3A_750 = arith.muli %sub3A_747, %mul3A_749 : i32
      %add3A_751 = arith.constant 16 : i32
      %add3A_752 = arith.addi %mul3A_750, %add3A_751 : i32
      %add3A_753 = vector.broadcast %add3A_752 : i32 to vector<16xi32>
      %add3A_754 = arith.addi %add3A_753, %iota3A_748 : vector<16xi32>
      %add3A_755 = arith.constant 1 : i32
      %add3A_756 = vector.broadcast %add3A_755 : i32 to vector<16xi32>
      %add3A_757 = arith.addi %add3A_754, %add3A_756 : vector<16xi32>
      %min3A_758 = arith.constant 4095 : i32
      %min3A_759 = vector.broadcast %min3A_758 : i32 to vector<16xi32>
      %min3A_760 = arith.minsi %add3A_757, %min3A_759 : vector<16xi32>
      %gather3A_761 = tpu.vector_load_idx %arg4[%min3A_760] : memref<4096xi32, #tpu.memory_space<vmem>>[vector<16xi32>], vector<16xi32>,
      %add3A_762 = arith.constant 1 : i32
      %add3A_763 = vector.broadcast %add3A_762 : i32 to vector<16xi32>
      %add3A_764 = arith.addi %add3A_754, %add3A_763 : vector<16xi32>
      %gt3A_765 = arith.constant 4095 : i32
      %gt3A_766 = vector.broadcast %gt3A_765 : i32 to vector<16xi32>
      %gt3A_767 = arith.cmpi sgt, %add3A_764, %gt3A_766 : vector<16xi32>
      %jit3A_768 = arith.constant 1 : i32
      %jit3A_769 = arith.constant 0 : i32
      %broadcast_in_dim3A_770 = vector.broadcast %jit3A_768 : i32 to vector<16xi32>
      %broadcast_in_dim3A_771 = vector.broadcast %jit3A_769 : i32 to vector<16xi32>
      %select_n3A_772 = arith.select %gt3A_767, %broadcast_in_dim3A_770, %broadcast_in_dim3A_771 : vector<16xi1>, vector<16xi32>
      %add3A_773 = arith.addi %gather3A_761, %select_n3A_772 : vector<16xi32>
      %gt3A_774 = arith.constant 255 : i32
      %gt3A_775 = vector.broadcast %gt3A_774 : i32 to vector<16xi32>
      %gt3A_776 = arith.cmpi sgt, %add3A_773, %gt3A_775 : vector<16xi32>
      %jit3A_777 = arith.constant 0 : i32
      %broadcast_in_dim3A_778 = vector.broadcast %jit3A_777 : i32 to vector<16xi32>
      %select_n3A_779 = arith.select %gt3A_776, %broadcast_in_dim3A_778, %add3A_773 : vector<16xi1>, vector<16xi32>
      %add3A_780 = arith.constant 16 : i32
      %add3A_781 = vector.broadcast %add3A_780 : i32 to vector<16xi32>
      %add3A_782 = arith.addi %add3A_781, %iota3A_748 : vector<16xi32>
      %mul3A_783 = arith.constant 256 : i32
      %mul3A_784 = vector.broadcast %mul3A_783 : i32 to vector<16xi32>
      %mul3A_785 = arith.muli %add3A_782, %mul3A_784 : vector<16xi32>
      %add3A_786 = arith.addi %mul3A_785, %select_n3A_779 : vector<16xi32>
      tpu.vector_store_idx %arg5[%add3A_786], %broadcast_in_dim3A_3 : memref<16384xf32, #tpu.memory_space<vmem>>[vector<16xi32>], vector<16xf32>,
      %sub3A_787 = arith.constant 4 : i32
      %sub3A_788 = arith.subi %add3A_698, %sub3A_787 : i32
      %iota3A_789 = tpu.iota {dimensions = array<i32: 0>} : vector<16xi32>
      %mul3A_790 = arith.constant 64 : i32
      %mul3A_791 = arith.muli %sub3A_788, %mul3A_790 : i32
      %add3A_792 = arith.constant 32 : i32
      %add3A_793 = arith.addi %mul3A_791, %add3A_792 : i32
      %add3A_794 = vector.broadcast %add3A_793 : i32 to vector<16xi32>
      %add3A_795 = arith.addi %add3A_794, %iota3A_789 : vector<16xi32>
      %add3A_796 = arith.constant 1 : i32
      %add3A_797 = vector.broadcast %add3A_796 : i32 to vector<16xi32>
      %add3A_798 = arith.addi %add3A_795, %add3A_797 : vector<16xi32>
      %min3A_799 = arith.constant 4095 : i32
      %min3A_800 = vector.broadcast %min3A_799 : i32 to vector<16xi32>
      %min3A_801 = arith.minsi %add3A_798, %min3A_800 : vector<16xi32>
      %gather3A_802 = tpu.vector_load_idx %arg4[%min3A_801] : memref<4096xi32, #tpu.memory_space<vmem>>[vector<16xi32>], vector<16xi32>,
      %add3A_803 = arith.constant 1 : i32
      %add3A_804 = vector.broadcast %add3A_803 : i32 to vector<16xi32>
      %add3A_805 = arith.addi %add3A_795, %add3A_804 : vector<16xi32>
      %gt3A_806 = arith.constant 4095 : i32
      %gt3A_807 = vector.broadcast %gt3A_806 : i32 to vector<16xi32>
      %gt3A_808 = arith.cmpi sgt, %add3A_805, %gt3A_807 : vector<16xi32>
      %jit3A_809 = arith.constant 1 : i32
      %jit3A_810 = arith.constant 0 : i32
      %broadcast_in_dim3A_811 = vector.broadcast %jit3A_809 : i32 to vector<16xi32>
      %broadcast_in_dim3A_812 = vector.broadcast %jit3A_810 : i32 to vector<16xi32>
      %select_n3A_813 = arith.select %gt3A_808, %broadcast_in_dim3A_811, %broadcast_in_dim3A_812 : vector<16xi1>, vector<16xi32>
      %add3A_814 = arith.addi %gather3A_802, %select_n3A_813 : vector<16xi32>
      %gt3A_815 = arith.constant 255 : i32
      %gt3A_816 = vector.broadcast %gt3A_815 : i32 to vector<16xi32>
      %gt3A_817 = arith.cmpi sgt, %add3A_814, %gt3A_816 : vector<16xi32>
      %jit3A_818 = arith.constant 0 : i32
      %broadcast_in_dim3A_819 = vector.broadcast %jit3A_818 : i32 to vector<16xi32>
      %select_n3A_820 = arith.select %gt3A_817, %broadcast_in_dim3A_819, %add3A_814 : vector<16xi1>, vector<16xi32>
      %add3A_821 = arith.constant 32 : i32
      %add3A_822 = vector.broadcast %add3A_821 : i32 to vector<16xi32>
      %add3A_823 = arith.addi %add3A_822, %iota3A_789 : vector<16xi32>
      %mul3A_824 = arith.constant 256 : i32
      %mul3A_825 = vector.broadcast %mul3A_824 : i32 to vector<16xi32>
      %mul3A_826 = arith.muli %add3A_823, %mul3A_825 : vector<16xi32>
      %add3A_827 = arith.addi %mul3A_826, %select_n3A_820 : vector<16xi32>
      tpu.vector_store_idx %arg5[%add3A_827], %broadcast_in_dim3A_3 : memref<16384xf32, #tpu.memory_space<vmem>>[vector<16xi32>], vector<16xf32>,
      %sub3A_828 = arith.constant 4 : i32
      %sub3A_829 = arith.subi %add3A_698, %sub3A_828 : i32
      %iota3A_830 = tpu.iota {dimensions = array<i32: 0>} : vector<16xi32>
      %mul3A_831 = arith.constant 64 : i32
      %mul3A_832 = arith.muli %sub3A_829, %mul3A_831 : i32
      %add3A_833 = arith.constant 48 : i32
      %add3A_834 = arith.addi %mul3A_832, %add3A_833 : i32
      %add3A_835 = vector.broadcast %add3A_834 : i32 to vector<16xi32>
      %add3A_836 = arith.addi %add3A_835, %iota3A_830 : vector<16xi32>
      %add3A_837 = arith.constant 1 : i32
      %add3A_838 = vector.broadcast %add3A_837 : i32 to vector<16xi32>
      %add3A_839 = arith.addi %add3A_836, %add3A_838 : vector<16xi32>
      %min3A_840 = arith.constant 4095 : i32
      %min3A_841 = vector.broadcast %min3A_840 : i32 to vector<16xi32>
      %min3A_842 = arith.minsi %add3A_839, %min3A_841 : vector<16xi32>
      %gather3A_843 = tpu.vector_load_idx %arg4[%min3A_842] : memref<4096xi32, #tpu.memory_space<vmem>>[vector<16xi32>], vector<16xi32>,
      %add3A_844 = arith.constant 1 : i32
      %add3A_845 = vector.broadcast %add3A_844 : i32 to vector<16xi32>
      %add3A_846 = arith.addi %add3A_836, %add3A_845 : vector<16xi32>
      %gt3A_847 = arith.constant 4095 : i32
      %gt3A_848 = vector.broadcast %gt3A_847 : i32 to vector<16xi32>
      %gt3A_849 = arith.cmpi sgt, %add3A_846, %gt3A_848 : vector<16xi32>
      %jit3A_850 = arith.constant 1 : i32
      %jit3A_851 = arith.constant 0 : i32
      %broadcast_in_dim3A_852 = vector.broadcast %jit3A_850 : i32 to vector<16xi32>
      %broadcast_in_dim3A_853 = vector.broadcast %jit3A_851 : i32 to vector<16xi32>
      %select_n3A_854 = arith.select %gt3A_849, %broadcast_in_dim3A_852, %broadcast_in_dim3A_853 : vector<16xi1>, vector<16xi32>
      %add3A_855 = arith.addi %gather3A_843, %select_n3A_854 : vector<16xi32>
      %gt3A_856 = arith.constant 255 : i32
      %gt3A_857 = vector.broadcast %gt3A_856 : i32 to vector<16xi32>
      %gt3A_858 = arith.cmpi sgt, %add3A_855, %gt3A_857 : vector<16xi32>
      %jit3A_859 = arith.constant 0 : i32
      %broadcast_in_dim3A_860 = vector.broadcast %jit3A_859 : i32 to vector<16xi32>
      %select_n3A_861 = arith.select %gt3A_858, %broadcast_in_dim3A_860, %add3A_855 : vector<16xi1>, vector<16xi32>
      %add3A_862 = arith.constant 48 : i32
      %add3A_863 = vector.broadcast %add3A_862 : i32 to vector<16xi32>
      %add3A_864 = arith.addi %add3A_863, %iota3A_830 : vector<16xi32>
      %mul3A_865 = arith.constant 256 : i32
      %mul3A_866 = vector.broadcast %mul3A_865 : i32 to vector<16xi32>
      %mul3A_867 = arith.muli %add3A_864, %mul3A_866 : vector<16xi32>
      %add3A_868 = arith.addi %mul3A_867, %select_n3A_861 : vector<16xi32>
      tpu.vector_store_idx %arg5[%add3A_868], %broadcast_in_dim3A_3 : memref<16384xf32, #tpu.memory_space<vmem>>[vector<16xi32>], vector<16xf32>,
      %iota3A_869 = tpu.iota {dimensions = array<i32: 0>} : vector<16xi32>
      %mul3A_870 = arith.constant 64 : i32
      %mul3A_871 = arith.muli %add3A_698, %mul3A_870 : i32
      %add3A_872 = arith.constant 0 : i32
      %add3A_873 = arith.addi %mul3A_871, %add3A_872 : i32
      %add3A_874 = vector.broadcast %add3A_873 : i32 to vector<16xi32>
      %add3A_875 = arith.addi %add3A_874, %iota3A_869 : vector<16xi32>
      %add3A_876 = arith.constant 1 : i32
      %add3A_877 = vector.broadcast %add3A_876 : i32 to vector<16xi32>
      %add3A_878 = arith.addi %add3A_875, %add3A_877 : vector<16xi32>
      %min3A_879 = arith.constant 4095 : i32
      %min3A_880 = vector.broadcast %min3A_879 : i32 to vector<16xi32>
      %min3A_881 = arith.minsi %add3A_878, %min3A_880 : vector<16xi32>
      %gather3A_882 = tpu.vector_load_idx %arg4[%min3A_881] : memref<4096xi32, #tpu.memory_space<vmem>>[vector<16xi32>], vector<16xi32>,
      %add3A_883 = arith.constant 1 : i32
      %add3A_884 = vector.broadcast %add3A_883 : i32 to vector<16xi32>
      %add3A_885 = arith.addi %add3A_875, %add3A_884 : vector<16xi32>
      %gt3A_886 = arith.constant 4095 : i32
      %gt3A_887 = vector.broadcast %gt3A_886 : i32 to vector<16xi32>
      %gt3A_888 = arith.cmpi sgt, %add3A_885, %gt3A_887 : vector<16xi32>
      %jit3A_889 = arith.constant 1 : i32
      %jit3A_890 = arith.constant 0 : i32
      %broadcast_in_dim3A_891 = vector.broadcast %jit3A_889 : i32 to vector<16xi32>
      %broadcast_in_dim3A_892 = vector.broadcast %jit3A_890 : i32 to vector<16xi32>
      %select_n3A_893 = arith.select %gt3A_888, %broadcast_in_dim3A_891, %broadcast_in_dim3A_892 : vector<16xi1>, vector<16xi32>
      %add3A_894 = arith.addi %gather3A_882, %select_n3A_893 : vector<16xi32>
      %gt3A_895 = arith.constant 255 : i32
      %gt3A_896 = vector.broadcast %gt3A_895 : i32 to vector<16xi32>
      %gt3A_897 = arith.cmpi sgt, %add3A_894, %gt3A_896 : vector<16xi32>
      %jit3A_898 = arith.constant 0 : i32
      %broadcast_in_dim3A_899 = vector.broadcast %jit3A_898 : i32 to vector<16xi32>
      %select_n3A_900 = arith.select %gt3A_897, %broadcast_in_dim3A_899, %add3A_894 : vector<16xi1>, vector<16xi32>
      %add3A_901 = arith.constant 0 : i32
      %add3A_902 = vector.broadcast %add3A_901 : i32 to vector<16xi32>
      %add3A_903 = arith.addi %add3A_902, %iota3A_869 : vector<16xi32>
      %mul3A_904 = arith.constant 256 : i32
      %mul3A_905 = vector.broadcast %mul3A_904 : i32 to vector<16xi32>
      %mul3A_906 = arith.muli %add3A_903, %mul3A_905 : vector<16xi32>
      %add3A_907 = arith.addi %mul3A_906, %select_n3A_900 : vector<16xi32>
      tpu.vector_store_idx %arg5[%add3A_907], %broadcast_in_dim3A_1 : memref<16384xf32, #tpu.memory_space<vmem>>[vector<16xi32>], vector<16xf32>,
      %iota3A_908 = tpu.iota {dimensions = array<i32: 0>} : vector<16xi32>
      %mul3A_909 = arith.constant 64 : i32
      %mul3A_910 = arith.muli %add3A_698, %mul3A_909 : i32
      %add3A_911 = arith.constant 16 : i32
      %add3A_912 = arith.addi %mul3A_910, %add3A_911 : i32
      %add3A_913 = vector.broadcast %add3A_912 : i32 to vector<16xi32>
      %add3A_914 = arith.addi %add3A_913, %iota3A_908 : vector<16xi32>
      %add3A_915 = arith.constant 1 : i32
      %add3A_916 = vector.broadcast %add3A_915 : i32 to vector<16xi32>
      %add3A_917 = arith.addi %add3A_914, %add3A_916 : vector<16xi32>
      %min3A_918 = arith.constant 4095 : i32
      %min3A_919 = vector.broadcast %min3A_918 : i32 to vector<16xi32>
      %min3A_920 = arith.minsi %add3A_917, %min3A_919 : vector<16xi32>
      %gather3A_921 = tpu.vector_load_idx %arg4[%min3A_920] : memref<4096xi32, #tpu.memory_space<vmem>>[vector<16xi32>], vector<16xi32>,
      %add3A_922 = arith.constant 1 : i32
      %add3A_923 = vector.broadcast %add3A_922 : i32 to vector<16xi32>
      %add3A_924 = arith.addi %add3A_914, %add3A_923 : vector<16xi32>
      %gt3A_925 = arith.constant 4095 : i32
      %gt3A_926 = vector.broadcast %gt3A_925 : i32 to vector<16xi32>
      %gt3A_927 = arith.cmpi sgt, %add3A_924, %gt3A_926 : vector<16xi32>
      %jit3A_928 = arith.constant 1 : i32
      %jit3A_929 = arith.constant 0 : i32
      %broadcast_in_dim3A_930 = vector.broadcast %jit3A_928 : i32 to vector<16xi32>
      %broadcast_in_dim3A_931 = vector.broadcast %jit3A_929 : i32 to vector<16xi32>
      %select_n3A_932 = arith.select %gt3A_927, %broadcast_in_dim3A_930, %broadcast_in_dim3A_931 : vector<16xi1>, vector<16xi32>
      %add3A_933 = arith.addi %gather3A_921, %select_n3A_932 : vector<16xi32>
      %gt3A_934 = arith.constant 255 : i32
      %gt3A_935 = vector.broadcast %gt3A_934 : i32 to vector<16xi32>
      %gt3A_936 = arith.cmpi sgt, %add3A_933, %gt3A_935 : vector<16xi32>
      %jit3A_937 = arith.constant 0 : i32
      %broadcast_in_dim3A_938 = vector.broadcast %jit3A_937 : i32 to vector<16xi32>
      %select_n3A_939 = arith.select %gt3A_936, %broadcast_in_dim3A_938, %add3A_933 : vector<16xi1>, vector<16xi32>
      %add3A_940 = arith.constant 16 : i32
      %add3A_941 = vector.broadcast %add3A_940 : i32 to vector<16xi32>
      %add3A_942 = arith.addi %add3A_941, %iota3A_908 : vector<16xi32>
      %mul3A_943 = arith.constant 256 : i32
      %mul3A_944 = vector.broadcast %mul3A_943 : i32 to vector<16xi32>
      %mul3A_945 = arith.muli %add3A_942, %mul3A_944 : vector<16xi32>
      %add3A_946 = arith.addi %mul3A_945, %select_n3A_939 : vector<16xi32>
      tpu.vector_store_idx %arg5[%add3A_946], %broadcast_in_dim3A_1 : memref<16384xf32, #tpu.memory_space<vmem>>[vector<16xi32>], vector<16xf32>,
      %iota3A_947 = tpu.iota {dimensions = array<i32: 0>} : vector<16xi32>
      %mul3A_948 = arith.constant 64 : i32
      %mul3A_949 = arith.muli %add3A_698, %mul3A_948 : i32
      %add3A_950 = arith.constant 32 : i32
      %add3A_951 = arith.addi %mul3A_949, %add3A_950 : i32
      %add3A_952 = vector.broadcast %add3A_951 : i32 to vector<16xi32>
      %add3A_953 = arith.addi %add3A_952, %iota3A_947 : vector<16xi32>
      %add3A_954 = arith.constant 1 : i32
      %add3A_955 = vector.broadcast %add3A_954 : i32 to vector<16xi32>
      %add3A_956 = arith.addi %add3A_953, %add3A_955 : vector<16xi32>
      %min3A_957 = arith.constant 4095 : i32
      %min3A_958 = vector.broadcast %min3A_957 : i32 to vector<16xi32>
      %min3A_959 = arith.minsi %add3A_956, %min3A_958 : vector<16xi32>
      %gather3A_960 = tpu.vector_load_idx %arg4[%min3A_959] : memref<4096xi32, #tpu.memory_space<vmem>>[vector<16xi32>], vector<16xi32>,
      %add3A_961 = arith.constant 1 : i32
      %add3A_962 = vector.broadcast %add3A_961 : i32 to vector<16xi32>
      %add3A_963 = arith.addi %add3A_953, %add3A_962 : vector<16xi32>
      %gt3A_964 = arith.constant 4095 : i32
      %gt3A_965 = vector.broadcast %gt3A_964 : i32 to vector<16xi32>
      %gt3A_966 = arith.cmpi sgt, %add3A_963, %gt3A_965 : vector<16xi32>
      %jit3A_967 = arith.constant 1 : i32
      %jit3A_968 = arith.constant 0 : i32
      %broadcast_in_dim3A_969 = vector.broadcast %jit3A_967 : i32 to vector<16xi32>
      %broadcast_in_dim3A_970 = vector.broadcast %jit3A_968 : i32 to vector<16xi32>
      %select_n3A_971 = arith.select %gt3A_966, %broadcast_in_dim3A_969, %broadcast_in_dim3A_970 : vector<16xi1>, vector<16xi32>
      %add3A_972 = arith.addi %gather3A_960, %select_n3A_971 : vector<16xi32>
      %gt3A_973 = arith.constant 255 : i32
      %gt3A_974 = vector.broadcast %gt3A_973 : i32 to vector<16xi32>
      %gt3A_975 = arith.cmpi sgt, %add3A_972, %gt3A_974 : vector<16xi32>
      %jit3A_976 = arith.constant 0 : i32
      %broadcast_in_dim3A_977 = vector.broadcast %jit3A_976 : i32 to vector<16xi32>
      %select_n3A_978 = arith.select %gt3A_975, %broadcast_in_dim3A_977, %add3A_972 : vector<16xi1>, vector<16xi32>
      %add3A_979 = arith.constant 32 : i32
      %add3A_980 = vector.broadcast %add3A_979 : i32 to vector<16xi32>
      %add3A_981 = arith.addi %add3A_980, %iota3A_947 : vector<16xi32>
      %mul3A_982 = arith.constant 256 : i32
      %mul3A_983 = vector.broadcast %mul3A_982 : i32 to vector<16xi32>
      %mul3A_984 = arith.muli %add3A_981, %mul3A_983 : vector<16xi32>
      %add3A_985 = arith.addi %mul3A_984, %select_n3A_978 : vector<16xi32>
      tpu.vector_store_idx %arg5[%add3A_985], %broadcast_in_dim3A_1 : memref<16384xf32, #tpu.memory_space<vmem>>[vector<16xi32>], vector<16xf32>,
      %iota3A_986 = tpu.iota {dimensions = array<i32: 0>} : vector<16xi32>
      %mul3A_987 = arith.constant 64 : i32
      %mul3A_988 = arith.muli %add3A_698, %mul3A_987 : i32
      %add3A_989 = arith.constant 48 : i32
      %add3A_990 = arith.addi %mul3A_988, %add3A_989 : i32
      %add3A_991 = vector.broadcast %add3A_990 : i32 to vector<16xi32>
      %add3A_992 = arith.addi %add3A_991, %iota3A_986 : vector<16xi32>
      %add3A_993 = arith.constant 1 : i32
      %add3A_994 = vector.broadcast %add3A_993 : i32 to vector<16xi32>
      %add3A_995 = arith.addi %add3A_992, %add3A_994 : vector<16xi32>
      %min3A_996 = arith.constant 4095 : i32
      %min3A_997 = vector.broadcast %min3A_996 : i32 to vector<16xi32>
      %min3A_998 = arith.minsi %add3A_995, %min3A_997 : vector<16xi32>
      %gather3A_999 = tpu.vector_load_idx %arg4[%min3A_998] : memref<4096xi32, #tpu.memory_space<vmem>>[vector<16xi32>], vector<16xi32>,
      %add3A_1000 = arith.constant 1 : i32
      %add3A_1001 = vector.broadcast %add3A_1000 : i32 to vector<16xi32>
      %add3A_1002 = arith.addi %add3A_992, %add3A_1001 : vector<16xi32>
      %gt3A_1003 = arith.constant 4095 : i32
      %gt3A_1004 = vector.broadcast %gt3A_1003 : i32 to vector<16xi32>
      %gt3A_1005 = arith.cmpi sgt, %add3A_1002, %gt3A_1004 : vector<16xi32>
      %jit3A_1006 = arith.constant 1 : i32
      %jit3A_1007 = arith.constant 0 : i32
      %broadcast_in_dim3A_1008 = vector.broadcast %jit3A_1006 : i32 to vector<16xi32>
      %broadcast_in_dim3A_1009 = vector.broadcast %jit3A_1007 : i32 to vector<16xi32>
      %select_n3A_1010 = arith.select %gt3A_1005, %broadcast_in_dim3A_1008, %broadcast_in_dim3A_1009 : vector<16xi1>, vector<16xi32>
      %add3A_1011 = arith.addi %gather3A_999, %select_n3A_1010 : vector<16xi32>
      %gt3A_1012 = arith.constant 255 : i32
      %gt3A_1013 = vector.broadcast %gt3A_1012 : i32 to vector<16xi32>
      %gt3A_1014 = arith.cmpi sgt, %add3A_1011, %gt3A_1013 : vector<16xi32>
      %jit3A_1015 = arith.constant 0 : i32
      %broadcast_in_dim3A_1016 = vector.broadcast %jit3A_1015 : i32 to vector<16xi32>
      %select_n3A_1017 = arith.select %gt3A_1014, %broadcast_in_dim3A_1016, %add3A_1011 : vector<16xi1>, vector<16xi32>
      %add3A_1018 = arith.constant 48 : i32
      %add3A_1019 = vector.broadcast %add3A_1018 : i32 to vector<16xi32>
      %add3A_1020 = arith.addi %add3A_1019, %iota3A_986 : vector<16xi32>
      %mul3A_1021 = arith.constant 256 : i32
      %mul3A_1022 = vector.broadcast %mul3A_1021 : i32 to vector<16xi32>
      %mul3A_1023 = arith.muli %add3A_1020, %mul3A_1022 : vector<16xi32>
      %add3A_1024 = arith.addi %mul3A_1023, %select_n3A_1017 : vector<16xi32>
      tpu.vector_store_idx %arg5[%add3A_1024], %broadcast_in_dim3A_1 : memref<16384xf32, #tpu.memory_space<vmem>>[vector<16xi32>], vector<16xf32>,
      %mul3A_1025 = arith.constant 16384 : i32
      %mul3A_1026 = arith.muli %add3A_698, %mul3A_1025 : i32
      %add3A_1027 = arith.addi %mul3A_13, %mul3A_1026 : i32
      %dma_start3A_1028 = tpu.memref_slice %arg3[%add3A_1027] : memref<33554432xf32, #tpu.memory_space<hbm>> -> memref<16384xf32, #tpu.memory_space<hbm>>
      %dma_start3A_1029 = tpu.memref_slice %arg3[%add3A_1027] : memref<33554432xf32, #tpu.memory_space<hbm>> -> memref<16384xf32, #tpu.memory_space<hbm>>
      tpu.enqueue_dma source(%arg5 : memref<16384xf32, #tpu.memory_space<vmem>>) target(%dma_start3A_1029 : memref<16384xf32, #tpu.memory_space<hbm>>) target_semaphore(%arg9 : memref<!tpu.dma_semaphore, #tpu.memory_space<semaphore_mem>>)
      %mul3A_1030 = arith.constant 4 : i32
      %mul3A_1031 = arith.muli %scan3A_693, %mul3A_1030 : i32
      %add3A_1032 = arith.constant 1 : i32
      %add3A_1033 = arith.addi %mul3A_1031, %add3A_1032 : i32
      %sub3A_1034 = arith.constant 4 : i32
      %sub3A_1035 = arith.subi %add3A_1033, %sub3A_1034 : i32
      %mul3A_1036 = arith.constant 16384 : i32
      %mul3A_1037 = arith.muli %sub3A_1035, %mul3A_1036 : i32
      %add3A_1038 = arith.addi %mul3A_13, %mul3A_1037 : i32
      %dma_wait3A_1039 = tpu.memref_slice %arg3[%add3A_1038] : memref<33554432xf32, #tpu.memory_space<hbm>> -> memref<16384xf32, #tpu.memory_space<hbm>>
      %dma_wait3A_1040 = tpu.memref_slice %arg3[%add3A_1038] : memref<33554432xf32, #tpu.memory_space<hbm>> -> memref<16384xf32, #tpu.memory_space<hbm>>
      tpu.wait_dma2 semaphore(%arg10 : memref<!tpu.dma_semaphore, #tpu.memory_space<semaphore_mem>>) src(%arg6 : memref<16384xf32, #tpu.memory_space<vmem>>) dst(%dma_wait3A_1040 : memref<16384xf32, #tpu.memory_space<hbm>>)
      %sub3A_1041 = arith.constant 4 : i32
      %sub3A_1042 = arith.subi %add3A_1033, %sub3A_1041 : i32
      %iota3A_1043 = tpu.iota {dimensions = array<i32: 0>} : vector<16xi32>
      %mul3A_1044 = arith.constant 64 : i32
      %mul3A_1045 = arith.muli %sub3A_1042, %mul3A_1044 : i32
      %add3A_1046 = arith.constant 0 : i32
      %add3A_1047 = arith.addi %mul3A_1045, %add3A_1046 : i32
      %add3A_1048 = vector.broadcast %add3A_1047 : i32 to vector<16xi32>
      %add3A_1049 = arith.addi %add3A_1048, %iota3A_1043 : vector<16xi32>
      %add3A_1050 = arith.constant 1 : i32
      %add3A_1051 = vector.broadcast %add3A_1050 : i32 to vector<16xi32>
      %add3A_1052 = arith.addi %add3A_1049, %add3A_1051 : vector<16xi32>
      %min3A_1053 = arith.constant 4095 : i32
      %min3A_1054 = vector.broadcast %min3A_1053 : i32 to vector<16xi32>
      %min3A_1055 = arith.minsi %add3A_1052, %min3A_1054 : vector<16xi32>
      %gather3A_1056 = tpu.vector_load_idx %arg4[%min3A_1055] : memref<4096xi32, #tpu.memory_space<vmem>>[vector<16xi32>], vector<16xi32>,
      %add3A_1057 = arith.constant 1 : i32
      %add3A_1058 = vector.broadcast %add3A_1057 : i32 to vector<16xi32>
      %add3A_1059 = arith.addi %add3A_1049, %add3A_1058 : vector<16xi32>
      %gt3A_1060 = arith.constant 4095 : i32
      %gt3A_1061 = vector.broadcast %gt3A_1060 : i32 to vector<16xi32>
      %gt3A_1062 = arith.cmpi sgt, %add3A_1059, %gt3A_1061 : vector<16xi32>
      %jit3A_1063 = arith.constant 1 : i32
      %jit3A_1064 = arith.constant 0 : i32
      %broadcast_in_dim3A_1065 = vector.broadcast %jit3A_1063 : i32 to vector<16xi32>
      %broadcast_in_dim3A_1066 = vector.broadcast %jit3A_1064 : i32 to vector<16xi32>
      %select_n3A_1067 = arith.select %gt3A_1062, %broadcast_in_dim3A_1065, %broadcast_in_dim3A_1066 : vector<16xi1>, vector<16xi32>
      %add3A_1068 = arith.addi %gather3A_1056, %select_n3A_1067 : vector<16xi32>
      %gt3A_1069 = arith.constant 255 : i32
      %gt3A_1070 = vector.broadcast %gt3A_1069 : i32 to vector<16xi32>
      %gt3A_1071 = arith.cmpi sgt, %add3A_1068, %gt3A_1070 : vector<16xi32>
      %jit3A_1072 = arith.constant 0 : i32
      %broadcast_in_dim3A_1073 = vector.broadcast %jit3A_1072 : i32 to vector<16xi32>
      %select_n3A_1074 = arith.select %gt3A_1071, %broadcast_in_dim3A_1073, %add3A_1068 : vector<16xi1>, vector<16xi32>
      %add3A_1075 = arith.constant 0 : i32
      %add3A_1076 = vector.broadcast %add3A_1075 : i32 to vector<16xi32>
      %add3A_1077 = arith.addi %add3A_1076, %iota3A_1043 : vector<16xi32>
      %mul3A_1078 = arith.constant 256 : i32
      %mul3A_1079 = vector.broadcast %mul3A_1078 : i32 to vector<16xi32>
      %mul3A_1080 = arith.muli %add3A_1077, %mul3A_1079 : vector<16xi32>
      %add3A_1081 = arith.addi %mul3A_1080, %select_n3A_1074 : vector<16xi32>
      tpu.vector_store_idx %arg6[%add3A_1081], %broadcast_in_dim3A_3 : memref<16384xf32, #tpu.memory_space<vmem>>[vector<16xi32>], vector<16xf32>,
      %sub3A_1082 = arith.constant 4 : i32
      %sub3A_1083 = arith.subi %add3A_1033, %sub3A_1082 : i32
      %iota3A_1084 = tpu.iota {dimensions = array<i32: 0>} : vector<16xi32>
      %mul3A_1085 = arith.constant 64 : i32
      %mul3A_1086 = arith.muli %sub3A_1083, %mul3A_1085 : i32
      %add3A_1087 = arith.constant 16 : i32
      %add3A_1088 = arith.addi %mul3A_1086, %add3A_1087 : i32
      %add3A_1089 = vector.broadcast %add3A_1088 : i32 to vector<16xi32>
      %add3A_1090 = arith.addi %add3A_1089, %iota3A_1084 : vector<16xi32>
      %add3A_1091 = arith.constant 1 : i32
      %add3A_1092 = vector.broadcast %add3A_1091 : i32 to vector<16xi32>
      %add3A_1093 = arith.addi %add3A_1090, %add3A_1092 : vector<16xi32>
      %min3A_1094 = arith.constant 4095 : i32
      %min3A_1095 = vector.broadcast %min3A_1094 : i32 to vector<16xi32>
      %min3A_1096 = arith.minsi %add3A_1093, %min3A_1095 : vector<16xi32>
      %gather3A_1097 = tpu.vector_load_idx %arg4[%min3A_1096] : memref<4096xi32, #tpu.memory_space<vmem>>[vector<16xi32>], vector<16xi32>,
      %add3A_1098 = arith.constant 1 : i32
      %add3A_1099 = vector.broadcast %add3A_1098 : i32 to vector<16xi32>
      %add3A_1100 = arith.addi %add3A_1090, %add3A_1099 : vector<16xi32>
      %gt3A_1101 = arith.constant 4095 : i32
      %gt3A_1102 = vector.broadcast %gt3A_1101 : i32 to vector<16xi32>
      %gt3A_1103 = arith.cmpi sgt, %add3A_1100, %gt3A_1102 : vector<16xi32>
      %jit3A_1104 = arith.constant 1 : i32
      %jit3A_1105 = arith.constant 0 : i32
      %broadcast_in_dim3A_1106 = vector.broadcast %jit3A_1104 : i32 to vector<16xi32>
      %broadcast_in_dim3A_1107 = vector.broadcast %jit3A_1105 : i32 to vector<16xi32>
      %select_n3A_1108 = arith.select %gt3A_1103, %broadcast_in_dim3A_1106, %broadcast_in_dim3A_1107 : vector<16xi1>, vector<16xi32>
      %add3A_1109 = arith.addi %gather3A_1097, %select_n3A_1108 : vector<16xi32>
      %gt3A_1110 = arith.constant 255 : i32
      %gt3A_1111 = vector.broadcast %gt3A_1110 : i32 to vector<16xi32>
      %gt3A_1112 = arith.cmpi sgt, %add3A_1109, %gt3A_1111 : vector<16xi32>
      %jit3A_1113 = arith.constant 0 : i32
      %broadcast_in_dim3A_1114 = vector.broadcast %jit3A_1113 : i32 to vector<16xi32>
      %select_n3A_1115 = arith.select %gt3A_1112, %broadcast_in_dim3A_1114, %add3A_1109 : vector<16xi1>, vector<16xi32>
      %add3A_1116 = arith.constant 16 : i32
      %add3A_1117 = vector.broadcast %add3A_1116 : i32 to vector<16xi32>
      %add3A_1118 = arith.addi %add3A_1117, %iota3A_1084 : vector<16xi32>
      %mul3A_1119 = arith.constant 256 : i32
      %mul3A_1120 = vector.broadcast %mul3A_1119 : i32 to vector<16xi32>
      %mul3A_1121 = arith.muli %add3A_1118, %mul3A_1120 : vector<16xi32>
      %add3A_1122 = arith.addi %mul3A_1121, %select_n3A_1115 : vector<16xi32>
      tpu.vector_store_idx %arg6[%add3A_1122], %broadcast_in_dim3A_3 : memref<16384xf32, #tpu.memory_space<vmem>>[vector<16xi32>], vector<16xf32>,
      %sub3A_1123 = arith.constant 4 : i32
      %sub3A_1124 = arith.subi %add3A_1033, %sub3A_1123 : i32
      %iota3A_1125 = tpu.iota {dimensions = array<i32: 0>} : vector<16xi32>
      %mul3A_1126 = arith.constant 64 : i32
      %mul3A_1127 = arith.muli %sub3A_1124, %mul3A_1126 : i32
      %add3A_1128 = arith.constant 32 : i32
      %add3A_1129 = arith.addi %mul3A_1127, %add3A_1128 : i32
      %add3A_1130 = vector.broadcast %add3A_1129 : i32 to vector<16xi32>
      %add3A_1131 = arith.addi %add3A_1130, %iota3A_1125 : vector<16xi32>
      %add3A_1132 = arith.constant 1 : i32
      %add3A_1133 = vector.broadcast %add3A_1132 : i32 to vector<16xi32>
      %add3A_1134 = arith.addi %add3A_1131, %add3A_1133 : vector<16xi32>
      %min3A_1135 = arith.constant 4095 : i32
      %min3A_1136 = vector.broadcast %min3A_1135 : i32 to vector<16xi32>
      %min3A_1137 = arith.minsi %add3A_1134, %min3A_1136 : vector<16xi32>
      %gather3A_1138 = tpu.vector_load_idx %arg4[%min3A_1137] : memref<4096xi32, #tpu.memory_space<vmem>>[vector<16xi32>], vector<16xi32>,
      %add3A_1139 = arith.constant 1 : i32
      %add3A_1140 = vector.broadcast %add3A_1139 : i32 to vector<16xi32>
      %add3A_1141 = arith.addi %add3A_1131, %add3A_1140 : vector<16xi32>
      %gt3A_1142 = arith.constant 4095 : i32
      %gt3A_1143 = vector.broadcast %gt3A_1142 : i32 to vector<16xi32>
      %gt3A_1144 = arith.cmpi sgt, %add3A_1141, %gt3A_1143 : vector<16xi32>
      %jit3A_1145 = arith.constant 1 : i32
      %jit3A_1146 = arith.constant 0 : i32
      %broadcast_in_dim3A_1147 = vector.broadcast %jit3A_1145 : i32 to vector<16xi32>
      %broadcast_in_dim3A_1148 = vector.broadcast %jit3A_1146 : i32 to vector<16xi32>
      %select_n3A_1149 = arith.select %gt3A_1144, %broadcast_in_dim3A_1147, %broadcast_in_dim3A_1148 : vector<16xi1>, vector<16xi32>
      %add3A_1150 = arith.addi %gather3A_1138, %select_n3A_1149 : vector<16xi32>
      %gt3A_1151 = arith.constant 255 : i32
      %gt3A_1152 = vector.broadcast %gt3A_1151 : i32 to vector<16xi32>
      %gt3A_1153 = arith.cmpi sgt, %add3A_1150, %gt3A_1152 : vector<16xi32>
      %jit3A_1154 = arith.constant 0 : i32
      %broadcast_in_dim3A_1155 = vector.broadcast %jit3A_1154 : i32 to vector<16xi32>
      %select_n3A_1156 = arith.select %gt3A_1153, %broadcast_in_dim3A_1155, %add3A_1150 : vector<16xi1>, vector<16xi32>
      %add3A_1157 = arith.constant 32 : i32
      %add3A_1158 = vector.broadcast %add3A_1157 : i32 to vector<16xi32>
      %add3A_1159 = arith.addi %add3A_1158, %iota3A_1125 : vector<16xi32>
      %mul3A_1160 = arith.constant 256 : i32
      %mul3A_1161 = vector.broadcast %mul3A_1160 : i32 to vector<16xi32>
      %mul3A_1162 = arith.muli %add3A_1159, %mul3A_1161 : vector<16xi32>
      %add3A_1163 = arith.addi %mul3A_1162, %select_n3A_1156 : vector<16xi32>
      tpu.vector_store_idx %arg6[%add3A_1163], %broadcast_in_dim3A_3 : memref<16384xf32, #tpu.memory_space<vmem>>[vector<16xi32>], vector<16xf32>,
      %sub3A_1164 = arith.constant 4 : i32
      %sub3A_1165 = arith.subi %add3A_1033, %sub3A_1164 : i32
      %iota3A_1166 = tpu.iota {dimensions = array<i32: 0>} : vector<16xi32>
      %mul3A_1167 = arith.constant 64 : i32
      %mul3A_1168 = arith.muli %sub3A_1165, %mul3A_1167 : i32
      %add3A_1169 = arith.constant 48 : i32
      %add3A_1170 = arith.addi %mul3A_1168, %add3A_1169 : i32
      %add3A_1171 = vector.broadcast %add3A_1170 : i32 to vector<16xi32>
      %add3A_1172 = arith.addi %add3A_1171, %iota3A_1166 : vector<16xi32>
      %add3A_1173 = arith.constant 1 : i32
      %add3A_1174 = vector.broadcast %add3A_1173 : i32 to vector<16xi32>
      %add3A_1175 = arith.addi %add3A_1172, %add3A_1174 : vector<16xi32>
      %min3A_1176 = arith.constant 4095 : i32
      %min3A_1177 = vector.broadcast %min3A_1176 : i32 to vector<16xi32>
      %min3A_1178 = arith.minsi %add3A_1175, %min3A_1177 : vector<16xi32>
      %gather3A_1179 = tpu.vector_load_idx %arg4[%min3A_1178] : memref<4096xi32, #tpu.memory_space<vmem>>[vector<16xi32>], vector<16xi32>,
      %add3A_1180 = arith.constant 1 : i32
      %add3A_1181 = vector.broadcast %add3A_1180 : i32 to vector<16xi32>
      %add3A_1182 = arith.addi %add3A_1172, %add3A_1181 : vector<16xi32>
      %gt3A_1183 = arith.constant 4095 : i32
      %gt3A_1184 = vector.broadcast %gt3A_1183 : i32 to vector<16xi32>
      %gt3A_1185 = arith.cmpi sgt, %add3A_1182, %gt3A_1184 : vector<16xi32>
      %jit3A_1186 = arith.constant 1 : i32
      %jit3A_1187 = arith.constant 0 : i32
      %broadcast_in_dim3A_1188 = vector.broadcast %jit3A_1186 : i32 to vector<16xi32>
      %broadcast_in_dim3A_1189 = vector.broadcast %jit3A_1187 : i32 to vector<16xi32>
      %select_n3A_1190 = arith.select %gt3A_1185, %broadcast_in_dim3A_1188, %broadcast_in_dim3A_1189 : vector<16xi1>, vector<16xi32>
      %add3A_1191 = arith.addi %gather3A_1179, %select_n3A_1190 : vector<16xi32>
      %gt3A_1192 = arith.constant 255 : i32
      %gt3A_1193 = vector.broadcast %gt3A_1192 : i32 to vector<16xi32>
      %gt3A_1194 = arith.cmpi sgt, %add3A_1191, %gt3A_1193 : vector<16xi32>
      %jit3A_1195 = arith.constant 0 : i32
      %broadcast_in_dim3A_1196 = vector.broadcast %jit3A_1195 : i32 to vector<16xi32>
      %select_n3A_1197 = arith.select %gt3A_1194, %broadcast_in_dim3A_1196, %add3A_1191 : vector<16xi1>, vector<16xi32>
      %add3A_1198 = arith.constant 48 : i32
      %add3A_1199 = vector.broadcast %add3A_1198 : i32 to vector<16xi32>
      %add3A_1200 = arith.addi %add3A_1199, %iota3A_1166 : vector<16xi32>
      %mul3A_1201 = arith.constant 256 : i32
      %mul3A_1202 = vector.broadcast %mul3A_1201 : i32 to vector<16xi32>
      %mul3A_1203 = arith.muli %add3A_1200, %mul3A_1202 : vector<16xi32>
      %add3A_1204 = arith.addi %mul3A_1203, %select_n3A_1197 : vector<16xi32>
      tpu.vector_store_idx %arg6[%add3A_1204], %broadcast_in_dim3A_3 : memref<16384xf32, #tpu.memory_space<vmem>>[vector<16xi32>], vector<16xf32>,
      %iota3A_1205 = tpu.iota {dimensions = array<i32: 0>} : vector<16xi32>
      %mul3A_1206 = arith.constant 64 : i32
      %mul3A_1207 = arith.muli %add3A_1033, %mul3A_1206 : i32
      %add3A_1208 = arith.constant 0 : i32
      %add3A_1209 = arith.addi %mul3A_1207, %add3A_1208 : i32
      %add3A_1210 = vector.broadcast %add3A_1209 : i32 to vector<16xi32>
      %add3A_1211 = arith.addi %add3A_1210, %iota3A_1205 : vector<16xi32>
      %add3A_1212 = arith.constant 1 : i32
      %add3A_1213 = vector.broadcast %add3A_1212 : i32 to vector<16xi32>
      %add3A_1214 = arith.addi %add3A_1211, %add3A_1213 : vector<16xi32>
      %min3A_1215 = arith.constant 4095 : i32
      %min3A_1216 = vector.broadcast %min3A_1215 : i32 to vector<16xi32>
      %min3A_1217 = arith.minsi %add3A_1214, %min3A_1216 : vector<16xi32>
      %gather3A_1218 = tpu.vector_load_idx %arg4[%min3A_1217] : memref<4096xi32, #tpu.memory_space<vmem>>[vector<16xi32>], vector<16xi32>,
      %add3A_1219 = arith.constant 1 : i32
      %add3A_1220 = vector.broadcast %add3A_1219 : i32 to vector<16xi32>
      %add3A_1221 = arith.addi %add3A_1211, %add3A_1220 : vector<16xi32>
      %gt3A_1222 = arith.constant 4095 : i32
      %gt3A_1223 = vector.broadcast %gt3A_1222 : i32 to vector<16xi32>
      %gt3A_1224 = arith.cmpi sgt, %add3A_1221, %gt3A_1223 : vector<16xi32>
      %jit3A_1225 = arith.constant 1 : i32
      %jit3A_1226 = arith.constant 0 : i32
      %broadcast_in_dim3A_1227 = vector.broadcast %jit3A_1225 : i32 to vector<16xi32>
      %broadcast_in_dim3A_1228 = vector.broadcast %jit3A_1226 : i32 to vector<16xi32>
      %select_n3A_1229 = arith.select %gt3A_1224, %broadcast_in_dim3A_1227, %broadcast_in_dim3A_1228 : vector<16xi1>, vector<16xi32>
      %add3A_1230 = arith.addi %gather3A_1218, %select_n3A_1229 : vector<16xi32>
      %gt3A_1231 = arith.constant 255 : i32
      %gt3A_1232 = vector.broadcast %gt3A_1231 : i32 to vector<16xi32>
      %gt3A_1233 = arith.cmpi sgt, %add3A_1230, %gt3A_1232 : vector<16xi32>
      %jit3A_1234 = arith.constant 0 : i32
      %broadcast_in_dim3A_1235 = vector.broadcast %jit3A_1234 : i32 to vector<16xi32>
      %select_n3A_1236 = arith.select %gt3A_1233, %broadcast_in_dim3A_1235, %add3A_1230 : vector<16xi1>, vector<16xi32>
      %add3A_1237 = arith.constant 0 : i32
      %add3A_1238 = vector.broadcast %add3A_1237 : i32 to vector<16xi32>
      %add3A_1239 = arith.addi %add3A_1238, %iota3A_1205 : vector<16xi32>
      %mul3A_1240 = arith.constant 256 : i32
      %mul3A_1241 = vector.broadcast %mul3A_1240 : i32 to vector<16xi32>
      %mul3A_1242 = arith.muli %add3A_1239, %mul3A_1241 : vector<16xi32>
      %add3A_1243 = arith.addi %mul3A_1242, %select_n3A_1236 : vector<16xi32>
      tpu.vector_store_idx %arg6[%add3A_1243], %broadcast_in_dim3A_1 : memref<16384xf32, #tpu.memory_space<vmem>>[vector<16xi32>], vector<16xf32>,
      %iota3A_1244 = tpu.iota {dimensions = array<i32: 0>} : vector<16xi32>
      %mul3A_1245 = arith.constant 64 : i32
      %mul3A_1246 = arith.muli %add3A_1033, %mul3A_1245 : i32
      %add3A_1247 = arith.constant 16 : i32
      %add3A_1248 = arith.addi %mul3A_1246, %add3A_1247 : i32
      %add3A_1249 = vector.broadcast %add3A_1248 : i32 to vector<16xi32>
      %add3A_1250 = arith.addi %add3A_1249, %iota3A_1244 : vector<16xi32>
      %add3A_1251 = arith.constant 1 : i32
      %add3A_1252 = vector.broadcast %add3A_1251 : i32 to vector<16xi32>
      %add3A_1253 = arith.addi %add3A_1250, %add3A_1252 : vector<16xi32>
      %min3A_1254 = arith.constant 4095 : i32
      %min3A_1255 = vector.broadcast %min3A_1254 : i32 to vector<16xi32>
      %min3A_1256 = arith.minsi %add3A_1253, %min3A_1255 : vector<16xi32>
      %gather3A_1257 = tpu.vector_load_idx %arg4[%min3A_1256] : memref<4096xi32, #tpu.memory_space<vmem>>[vector<16xi32>], vector<16xi32>,
      %add3A_1258 = arith.constant 1 : i32
      %add3A_1259 = vector.broadcast %add3A_1258 : i32 to vector<16xi32>
      %add3A_1260 = arith.addi %add3A_1250, %add3A_1259 : vector<16xi32>
      %gt3A_1261 = arith.constant 4095 : i32
      %gt3A_1262 = vector.broadcast %gt3A_1261 : i32 to vector<16xi32>
      %gt3A_1263 = arith.cmpi sgt, %add3A_1260, %gt3A_1262 : vector<16xi32>
      %jit3A_1264 = arith.constant 1 : i32
      %jit3A_1265 = arith.constant 0 : i32
      %broadcast_in_dim3A_1266 = vector.broadcast %jit3A_1264 : i32 to vector<16xi32>
      %broadcast_in_dim3A_1267 = vector.broadcast %jit3A_1265 : i32 to vector<16xi32>
      %select_n3A_1268 = arith.select %gt3A_1263, %broadcast_in_dim3A_1266, %broadcast_in_dim3A_1267 : vector<16xi1>, vector<16xi32>
      %add3A_1269 = arith.addi %gather3A_1257, %select_n3A_1268 : vector<16xi32>
      %gt3A_1270 = arith.constant 255 : i32
      %gt3A_1271 = vector.broadcast %gt3A_1270 : i32 to vector<16xi32>
      %gt3A_1272 = arith.cmpi sgt, %add3A_1269, %gt3A_1271 : vector<16xi32>
      %jit3A_1273 = arith.constant 0 : i32
      %broadcast_in_dim3A_1274 = vector.broadcast %jit3A_1273 : i32 to vector<16xi32>
      %select_n3A_1275 = arith.select %gt3A_1272, %broadcast_in_dim3A_1274, %add3A_1269 : vector<16xi1>, vector<16xi32>
      %add3A_1276 = arith.constant 16 : i32
      %add3A_1277 = vector.broadcast %add3A_1276 : i32 to vector<16xi32>
      %add3A_1278 = arith.addi %add3A_1277, %iota3A_1244 : vector<16xi32>
      %mul3A_1279 = arith.constant 256 : i32
      %mul3A_1280 = vector.broadcast %mul3A_1279 : i32 to vector<16xi32>
      %mul3A_1281 = arith.muli %add3A_1278, %mul3A_1280 : vector<16xi32>
      %add3A_1282 = arith.addi %mul3A_1281, %select_n3A_1275 : vector<16xi32>
      tpu.vector_store_idx %arg6[%add3A_1282], %broadcast_in_dim3A_1 : memref<16384xf32, #tpu.memory_space<vmem>>[vector<16xi32>], vector<16xf32>,
      %iota3A_1283 = tpu.iota {dimensions = array<i32: 0>} : vector<16xi32>
      %mul3A_1284 = arith.constant 64 : i32
      %mul3A_1285 = arith.muli %add3A_1033, %mul3A_1284 : i32
      %add3A_1286 = arith.constant 32 : i32
      %add3A_1287 = arith.addi %mul3A_1285, %add3A_1286 : i32
      %add3A_1288 = vector.broadcast %add3A_1287 : i32 to vector<16xi32>
      %add3A_1289 = arith.addi %add3A_1288, %iota3A_1283 : vector<16xi32>
      %add3A_1290 = arith.constant 1 : i32
      %add3A_1291 = vector.broadcast %add3A_1290 : i32 to vector<16xi32>
      %add3A_1292 = arith.addi %add3A_1289, %add3A_1291 : vector<16xi32>
      %min3A_1293 = arith.constant 4095 : i32
      %min3A_1294 = vector.broadcast %min3A_1293 : i32 to vector<16xi32>
      %min3A_1295 = arith.minsi %add3A_1292, %min3A_1294 : vector<16xi32>
      %gather3A_1296 = tpu.vector_load_idx %arg4[%min3A_1295] : memref<4096xi32, #tpu.memory_space<vmem>>[vector<16xi32>], vector<16xi32>,
      %add3A_1297 = arith.constant 1 : i32
      %add3A_1298 = vector.broadcast %add3A_1297 : i32 to vector<16xi32>
      %add3A_1299 = arith.addi %add3A_1289, %add3A_1298 : vector<16xi32>
      %gt3A_1300 = arith.constant 4095 : i32
      %gt3A_1301 = vector.broadcast %gt3A_1300 : i32 to vector<16xi32>
      %gt3A_1302 = arith.cmpi sgt, %add3A_1299, %gt3A_1301 : vector<16xi32>
      %jit3A_1303 = arith.constant 1 : i32
      %jit3A_1304 = arith.constant 0 : i32
      %broadcast_in_dim3A_1305 = vector.broadcast %jit3A_1303 : i32 to vector<16xi32>
      %broadcast_in_dim3A_1306 = vector.broadcast %jit3A_1304 : i32 to vector<16xi32>
      %select_n3A_1307 = arith.select %gt3A_1302, %broadcast_in_dim3A_1305, %broadcast_in_dim3A_1306 : vector<16xi1>, vector<16xi32>
      %add3A_1308 = arith.addi %gather3A_1296, %select_n3A_1307 : vector<16xi32>
      %gt3A_1309 = arith.constant 255 : i32
      %gt3A_1310 = vector.broadcast %gt3A_1309 : i32 to vector<16xi32>
      %gt3A_1311 = arith.cmpi sgt, %add3A_1308, %gt3A_1310 : vector<16xi32>
      %jit3A_1312 = arith.constant 0 : i32
      %broadcast_in_dim3A_1313 = vector.broadcast %jit3A_1312 : i32 to vector<16xi32>
      %select_n3A_1314 = arith.select %gt3A_1311, %broadcast_in_dim3A_1313, %add3A_1308 : vector<16xi1>, vector<16xi32>
      %add3A_1315 = arith.constant 32 : i32
      %add3A_1316 = vector.broadcast %add3A_1315 : i32 to vector<16xi32>
      %add3A_1317 = arith.addi %add3A_1316, %iota3A_1283 : vector<16xi32>
      %mul3A_1318 = arith.constant 256 : i32
      %mul3A_1319 = vector.broadcast %mul3A_1318 : i32 to vector<16xi32>
      %mul3A_1320 = arith.muli %add3A_1317, %mul3A_1319 : vector<16xi32>
      %add3A_1321 = arith.addi %mul3A_1320, %select_n3A_1314 : vector<16xi32>
      tpu.vector_store_idx %arg6[%add3A_1321], %broadcast_in_dim3A_1 : memref<16384xf32, #tpu.memory_space<vmem>>[vector<16xi32>], vector<16xf32>,
      %iota3A_1322 = tpu.iota {dimensions = array<i32: 0>} : vector<16xi32>
      %mul3A_1323 = arith.constant 64 : i32
      %mul3A_1324 = arith.muli %add3A_1033, %mul3A_1323 : i32
      %add3A_1325 = arith.constant 48 : i32
      %add3A_1326 = arith.addi %mul3A_1324, %add3A_1325 : i32
      %add3A_1327 = vector.broadcast %add3A_1326 : i32 to vector<16xi32>
      %add3A_1328 = arith.addi %add3A_1327, %iota3A_1322 : vector<16xi32>
      %add3A_1329 = arith.constant 1 : i32
      %add3A_1330 = vector.broadcast %add3A_1329 : i32 to vector<16xi32>
      %add3A_1331 = arith.addi %add3A_1328, %add3A_1330 : vector<16xi32>
      %min3A_1332 = arith.constant 4095 : i32
      %min3A_1333 = vector.broadcast %min3A_1332 : i32 to vector<16xi32>
      %min3A_1334 = arith.minsi %add3A_1331, %min3A_1333 : vector<16xi32>
      %gather3A_1335 = tpu.vector_load_idx %arg4[%min3A_1334] : memref<4096xi32, #tpu.memory_space<vmem>>[vector<16xi32>], vector<16xi32>,
      %add3A_1336 = arith.constant 1 : i32
      %add3A_1337 = vector.broadcast %add3A_1336 : i32 to vector<16xi32>
      %add3A_1338 = arith.addi %add3A_1328, %add3A_1337 : vector<16xi32>
      %gt3A_1339 = arith.constant 4095 : i32
      %gt3A_1340 = vector.broadcast %gt3A_1339 : i32 to vector<16xi32>
      %gt3A_1341 = arith.cmpi sgt, %add3A_1338, %gt3A_1340 : vector<16xi32>
      %jit3A_1342 = arith.constant 1 : i32
      %jit3A_1343 = arith.constant 0 : i32
      %broadcast_in_dim3A_1344 = vector.broadcast %jit3A_1342 : i32 to vector<16xi32>
      %broadcast_in_dim3A_1345 = vector.broadcast %jit3A_1343 : i32 to vector<16xi32>
      %select_n3A_1346 = arith.select %gt3A_1341, %broadcast_in_dim3A_1344, %broadcast_in_dim3A_1345 : vector<16xi1>, vector<16xi32>
      %add3A_1347 = arith.addi %gather3A_1335, %select_n3A_1346 : vector<16xi32>
      %gt3A_1348 = arith.constant 255 : i32
      %gt3A_1349 = vector.broadcast %gt3A_1348 : i32 to vector<16xi32>
      %gt3A_1350 = arith.cmpi sgt, %add3A_1347, %gt3A_1349 : vector<16xi32>
      %jit3A_1351 = arith.constant 0 : i32
      %broadcast_in_dim3A_1352 = vector.broadcast %jit3A_1351 : i32 to vector<16xi32>
      %select_n3A_1353 = arith.select %gt3A_1350, %broadcast_in_dim3A_1352, %add3A_1347 : vector<16xi1>, vector<16xi32>
      %add3A_1354 = arith.constant 48 : i32
      %add3A_1355 = vector.broadcast %add3A_1354 : i32 to vector<16xi32>
      %add3A_1356 = arith.addi %add3A_1355, %iota3A_1322 : vector<16xi32>
      %mul3A_1357 = arith.constant 256 : i32
      %mul3A_1358 = vector.broadcast %mul3A_1357 : i32 to vector<16xi32>
      %mul3A_1359 = arith.muli %add3A_1356, %mul3A_1358 : vector<16xi32>
      %add3A_1360 = arith.addi %mul3A_1359, %select_n3A_1353 : vector<16xi32>
      tpu.vector_store_idx %arg6[%add3A_1360], %broadcast_in_dim3A_1 : memref<16384xf32, #tpu.memory_space<vmem>>[vector<16xi32>], vector<16xf32>,
      %mul3A_1361 = arith.constant 16384 : i32
      %mul3A_1362 = arith.muli %add3A_1033, %mul3A_1361 : i32
      %add3A_1363 = arith.addi %mul3A_13, %mul3A_1362 : i32
      %dma_start3A_1364 = tpu.memref_slice %arg3[%add3A_1363] : memref<33554432xf32, #tpu.memory_space<hbm>> -> memref<16384xf32, #tpu.memory_space<hbm>>
      %dma_start3A_1365 = tpu.memref_slice %arg3[%add3A_1363] : memref<33554432xf32, #tpu.memory_space<hbm>> -> memref<16384xf32, #tpu.memory_space<hbm>>
      tpu.enqueue_dma source(%arg6 : memref<16384xf32, #tpu.memory_space<vmem>>) target(%dma_start3A_1365 : memref<16384xf32, #tpu.memory_space<hbm>>) target_semaphore(%arg10 : memref<!tpu.dma_semaphore, #tpu.memory_space<semaphore_mem>>)
      %mul3A_1366 = arith.constant 4 : i32
      %mul3A_1367 = arith.muli %scan3A_693, %mul3A_1366 : i32
      %add3A_1368 = arith.constant 2 : i32
      %add3A_1369 = arith.addi %mul3A_1367, %add3A_1368 : i32
      %sub3A_1370 = arith.constant 4 : i32
      %sub3A_1371 = arith.subi %add3A_1369, %sub3A_1370 : i32
      %mul3A_1372 = arith.constant 16384 : i32
      %mul3A_1373 = arith.muli %sub3A_1371, %mul3A_1372 : i32
      %add3A_1374 = arith.addi %mul3A_13, %mul3A_1373 : i32
      %dma_wait3A_1375 = tpu.memref_slice %arg3[%add3A_1374] : memref<33554432xf32, #tpu.memory_space<hbm>> -> memref<16384xf32, #tpu.memory_space<hbm>>
      %dma_wait3A_1376 = tpu.memref_slice %arg3[%add3A_1374] : memref<33554432xf32, #tpu.memory_space<hbm>> -> memref<16384xf32, #tpu.memory_space<hbm>>
      tpu.wait_dma2 semaphore(%arg11 : memref<!tpu.dma_semaphore, #tpu.memory_space<semaphore_mem>>) src(%arg7 : memref<16384xf32, #tpu.memory_space<vmem>>) dst(%dma_wait3A_1376 : memref<16384xf32, #tpu.memory_space<hbm>>)
      %sub3A_1377 = arith.constant 4 : i32
      %sub3A_1378 = arith.subi %add3A_1369, %sub3A_1377 : i32
      %iota3A_1379 = tpu.iota {dimensions = array<i32: 0>} : vector<16xi32>
      %mul3A_1380 = arith.constant 64 : i32
      %mul3A_1381 = arith.muli %sub3A_1378, %mul3A_1380 : i32
      %add3A_1382 = arith.constant 0 : i32
      %add3A_1383 = arith.addi %mul3A_1381, %add3A_1382 : i32
      %add3A_1384 = vector.broadcast %add3A_1383 : i32 to vector<16xi32>
      %add3A_1385 = arith.addi %add3A_1384, %iota3A_1379 : vector<16xi32>
      %add3A_1386 = arith.constant 1 : i32
      %add3A_1387 = vector.broadcast %add3A_1386 : i32 to vector<16xi32>
      %add3A_1388 = arith.addi %add3A_1385, %add3A_1387 : vector<16xi32>
      %min3A_1389 = arith.constant 4095 : i32
      %min3A_1390 = vector.broadcast %min3A_1389 : i32 to vector<16xi32>
      %min3A_1391 = arith.minsi %add3A_1388, %min3A_1390 : vector<16xi32>
      %gather3A_1392 = tpu.vector_load_idx %arg4[%min3A_1391] : memref<4096xi32, #tpu.memory_space<vmem>>[vector<16xi32>], vector<16xi32>,
      %add3A_1393 = arith.constant 1 : i32
      %add3A_1394 = vector.broadcast %add3A_1393 : i32 to vector<16xi32>
      %add3A_1395 = arith.addi %add3A_1385, %add3A_1394 : vector<16xi32>
      %gt3A_1396 = arith.constant 4095 : i32
      %gt3A_1397 = vector.broadcast %gt3A_1396 : i32 to vector<16xi32>
      %gt3A_1398 = arith.cmpi sgt, %add3A_1395, %gt3A_1397 : vector<16xi32>
      %jit3A_1399 = arith.constant 1 : i32
      %jit3A_1400 = arith.constant 0 : i32
      %broadcast_in_dim3A_1401 = vector.broadcast %jit3A_1399 : i32 to vector<16xi32>
      %broadcast_in_dim3A_1402 = vector.broadcast %jit3A_1400 : i32 to vector<16xi32>
      %select_n3A_1403 = arith.select %gt3A_1398, %broadcast_in_dim3A_1401, %broadcast_in_dim3A_1402 : vector<16xi1>, vector<16xi32>
      %add3A_1404 = arith.addi %gather3A_1392, %select_n3A_1403 : vector<16xi32>
      %gt3A_1405 = arith.constant 255 : i32
      %gt3A_1406 = vector.broadcast %gt3A_1405 : i32 to vector<16xi32>
      %gt3A_1407 = arith.cmpi sgt, %add3A_1404, %gt3A_1406 : vector<16xi32>
      %jit3A_1408 = arith.constant 0 : i32
      %broadcast_in_dim3A_1409 = vector.broadcast %jit3A_1408 : i32 to vector<16xi32>
      %select_n3A_1410 = arith.select %gt3A_1407, %broadcast_in_dim3A_1409, %add3A_1404 : vector<16xi1>, vector<16xi32>
      %add3A_1411 = arith.constant 0 : i32
      %add3A_1412 = vector.broadcast %add3A_1411 : i32 to vector<16xi32>
      %add3A_1413 = arith.addi %add3A_1412, %iota3A_1379 : vector<16xi32>
      %mul3A_1414 = arith.constant 256 : i32
      %mul3A_1415 = vector.broadcast %mul3A_1414 : i32 to vector<16xi32>
      %mul3A_1416 = arith.muli %add3A_1413, %mul3A_1415 : vector<16xi32>
      %add3A_1417 = arith.addi %mul3A_1416, %select_n3A_1410 : vector<16xi32>
      tpu.vector_store_idx %arg7[%add3A_1417], %broadcast_in_dim3A_3 : memref<16384xf32, #tpu.memory_space<vmem>>[vector<16xi32>], vector<16xf32>,
      %sub3A_1418 = arith.constant 4 : i32
      %sub3A_1419 = arith.subi %add3A_1369, %sub3A_1418 : i32
      %iota3A_1420 = tpu.iota {dimensions = array<i32: 0>} : vector<16xi32>
      %mul3A_1421 = arith.constant 64 : i32
      %mul3A_1422 = arith.muli %sub3A_1419, %mul3A_1421 : i32
      %add3A_1423 = arith.constant 16 : i32
      %add3A_1424 = arith.addi %mul3A_1422, %add3A_1423 : i32
      %add3A_1425 = vector.broadcast %add3A_1424 : i32 to vector<16xi32>
      %add3A_1426 = arith.addi %add3A_1425, %iota3A_1420 : vector<16xi32>
      %add3A_1427 = arith.constant 1 : i32
      %add3A_1428 = vector.broadcast %add3A_1427 : i32 to vector<16xi32>
      %add3A_1429 = arith.addi %add3A_1426, %add3A_1428 : vector<16xi32>
      %min3A_1430 = arith.constant 4095 : i32
      %min3A_1431 = vector.broadcast %min3A_1430 : i32 to vector<16xi32>
      %min3A_1432 = arith.minsi %add3A_1429, %min3A_1431 : vector<16xi32>
      %gather3A_1433 = tpu.vector_load_idx %arg4[%min3A_1432] : memref<4096xi32, #tpu.memory_space<vmem>>[vector<16xi32>], vector<16xi32>,
      %add3A_1434 = arith.constant 1 : i32
      %add3A_1435 = vector.broadcast %add3A_1434 : i32 to vector<16xi32>
      %add3A_1436 = arith.addi %add3A_1426, %add3A_1435 : vector<16xi32>
      %gt3A_1437 = arith.constant 4095 : i32
      %gt3A_1438 = vector.broadcast %gt3A_1437 : i32 to vector<16xi32>
      %gt3A_1439 = arith.cmpi sgt, %add3A_1436, %gt3A_1438 : vector<16xi32>
      %jit3A_1440 = arith.constant 1 : i32
      %jit3A_1441 = arith.constant 0 : i32
      %broadcast_in_dim3A_1442 = vector.broadcast %jit3A_1440 : i32 to vector<16xi32>
      %broadcast_in_dim3A_1443 = vector.broadcast %jit3A_1441 : i32 to vector<16xi32>
      %select_n3A_1444 = arith.select %gt3A_1439, %broadcast_in_dim3A_1442, %broadcast_in_dim3A_1443 : vector<16xi1>, vector<16xi32>
      %add3A_1445 = arith.addi %gather3A_1433, %select_n3A_1444 : vector<16xi32>
      %gt3A_1446 = arith.constant 255 : i32
      %gt3A_1447 = vector.broadcast %gt3A_1446 : i32 to vector<16xi32>
      %gt3A_1448 = arith.cmpi sgt, %add3A_1445, %gt3A_1447 : vector<16xi32>
      %jit3A_1449 = arith.constant 0 : i32
      %broadcast_in_dim3A_1450 = vector.broadcast %jit3A_1449 : i32 to vector<16xi32>
      %select_n3A_1451 = arith.select %gt3A_1448, %broadcast_in_dim3A_1450, %add3A_1445 : vector<16xi1>, vector<16xi32>
      %add3A_1452 = arith.constant 16 : i32
      %add3A_1453 = vector.broadcast %add3A_1452 : i32 to vector<16xi32>
      %add3A_1454 = arith.addi %add3A_1453, %iota3A_1420 : vector<16xi32>
      %mul3A_1455 = arith.constant 256 : i32
      %mul3A_1456 = vector.broadcast %mul3A_1455 : i32 to vector<16xi32>
      %mul3A_1457 = arith.muli %add3A_1454, %mul3A_1456 : vector<16xi32>
      %add3A_1458 = arith.addi %mul3A_1457, %select_n3A_1451 : vector<16xi32>
      tpu.vector_store_idx %arg7[%add3A_1458], %broadcast_in_dim3A_3 : memref<16384xf32, #tpu.memory_space<vmem>>[vector<16xi32>], vector<16xf32>,
      %sub3A_1459 = arith.constant 4 : i32
      %sub3A_1460 = arith.subi %add3A_1369, %sub3A_1459 : i32
      %iota3A_1461 = tpu.iota {dimensions = array<i32: 0>} : vector<16xi32>
      %mul3A_1462 = arith.constant 64 : i32
      %mul3A_1463 = arith.muli %sub3A_1460, %mul3A_1462 : i32
      %add3A_1464 = arith.constant 32 : i32
      %add3A_1465 = arith.addi %mul3A_1463, %add3A_1464 : i32
      %add3A_1466 = vector.broadcast %add3A_1465 : i32 to vector<16xi32>
      %add3A_1467 = arith.addi %add3A_1466, %iota3A_1461 : vector<16xi32>
      %add3A_1468 = arith.constant 1 : i32
      %add3A_1469 = vector.broadcast %add3A_1468 : i32 to vector<16xi32>
      %add3A_1470 = arith.addi %add3A_1467, %add3A_1469 : vector<16xi32>
      %min3A_1471 = arith.constant 4095 : i32
      %min3A_1472 = vector.broadcast %min3A_1471 : i32 to vector<16xi32>
      %min3A_1473 = arith.minsi %add3A_1470, %min3A_1472 : vector<16xi32>
      %gather3A_1474 = tpu.vector_load_idx %arg4[%min3A_1473] : memref<4096xi32, #tpu.memory_space<vmem>>[vector<16xi32>], vector<16xi32>,
      %add3A_1475 = arith.constant 1 : i32
      %add3A_1476 = vector.broadcast %add3A_1475 : i32 to vector<16xi32>
      %add3A_1477 = arith.addi %add3A_1467, %add3A_1476 : vector<16xi32>
      %gt3A_1478 = arith.constant 4095 : i32
      %gt3A_1479 = vector.broadcast %gt3A_1478 : i32 to vector<16xi32>
      %gt3A_1480 = arith.cmpi sgt, %add3A_1477, %gt3A_1479 : vector<16xi32>
      %jit3A_1481 = arith.constant 1 : i32
      %jit3A_1482 = arith.constant 0 : i32
      %broadcast_in_dim3A_1483 = vector.broadcast %jit3A_1481 : i32 to vector<16xi32>
      %broadcast_in_dim3A_1484 = vector.broadcast %jit3A_1482 : i32 to vector<16xi32>
      %select_n3A_1485 = arith.select %gt3A_1480, %broadcast_in_dim3A_1483, %broadcast_in_dim3A_1484 : vector<16xi1>, vector<16xi32>
      %add3A_1486 = arith.addi %gather3A_1474, %select_n3A_1485 : vector<16xi32>
      %gt3A_1487 = arith.constant 255 : i32
      %gt3A_1488 = vector.broadcast %gt3A_1487 : i32 to vector<16xi32>
      %gt3A_1489 = arith.cmpi sgt, %add3A_1486, %gt3A_1488 : vector<16xi32>
      %jit3A_1490 = arith.constant 0 : i32
      %broadcast_in_dim3A_1491 = vector.broadcast %jit3A_1490 : i32 to vector<16xi32>
      %select_n3A_1492 = arith.select %gt3A_1489, %broadcast_in_dim3A_1491, %add3A_1486 : vector<16xi1>, vector<16xi32>
      %add3A_1493 = arith.constant 32 : i32
      %add3A_1494 = vector.broadcast %add3A_1493 : i32 to vector<16xi32>
      %add3A_1495 = arith.addi %add3A_1494, %iota3A_1461 : vector<16xi32>
      %mul3A_1496 = arith.constant 256 : i32
      %mul3A_1497 = vector.broadcast %mul3A_1496 : i32 to vector<16xi32>
      %mul3A_1498 = arith.muli %add3A_1495, %mul3A_1497 : vector<16xi32>
      %add3A_1499 = arith.addi %mul3A_1498, %select_n3A_1492 : vector<16xi32>
      tpu.vector_store_idx %arg7[%add3A_1499], %broadcast_in_dim3A_3 : memref<16384xf32, #tpu.memory_space<vmem>>[vector<16xi32>], vector<16xf32>,
      %sub3A_1500 = arith.constant 4 : i32
      %sub3A_1501 = arith.subi %add3A_1369, %sub3A_1500 : i32
      %iota3A_1502 = tpu.iota {dimensions = array<i32: 0>} : vector<16xi32>
      %mul3A_1503 = arith.constant 64 : i32
      %mul3A_1504 = arith.muli %sub3A_1501, %mul3A_1503 : i32
      %add3A_1505 = arith.constant 48 : i32
      %add3A_1506 = arith.addi %mul3A_1504, %add3A_1505 : i32
      %add3A_1507 = vector.broadcast %add3A_1506 : i32 to vector<16xi32>
      %add3A_1508 = arith.addi %add3A_1507, %iota3A_1502 : vector<16xi32>
      %add3A_1509 = arith.constant 1 : i32
      %add3A_1510 = vector.broadcast %add3A_1509 : i32 to vector<16xi32>
      %add3A_1511 = arith.addi %add3A_1508, %add3A_1510 : vector<16xi32>
      %min3A_1512 = arith.constant 4095 : i32
      %min3A_1513 = vector.broadcast %min3A_1512 : i32 to vector<16xi32>
      %min3A_1514 = arith.minsi %add3A_1511, %min3A_1513 : vector<16xi32>
      %gather3A_1515 = tpu.vector_load_idx %arg4[%min3A_1514] : memref<4096xi32, #tpu.memory_space<vmem>>[vector<16xi32>], vector<16xi32>,
      %add3A_1516 = arith.constant 1 : i32
      %add3A_1517 = vector.broadcast %add3A_1516 : i32 to vector<16xi32>
      %add3A_1518 = arith.addi %add3A_1508, %add3A_1517 : vector<16xi32>
      %gt3A_1519 = arith.constant 4095 : i32
      %gt3A_1520 = vector.broadcast %gt3A_1519 : i32 to vector<16xi32>
      %gt3A_1521 = arith.cmpi sgt, %add3A_1518, %gt3A_1520 : vector<16xi32>
      %jit3A_1522 = arith.constant 1 : i32
      %jit3A_1523 = arith.constant 0 : i32
      %broadcast_in_dim3A_1524 = vector.broadcast %jit3A_1522 : i32 to vector<16xi32>
      %broadcast_in_dim3A_1525 = vector.broadcast %jit3A_1523 : i32 to vector<16xi32>
      %select_n3A_1526 = arith.select %gt3A_1521, %broadcast_in_dim3A_1524, %broadcast_in_dim3A_1525 : vector<16xi1>, vector<16xi32>
      %add3A_1527 = arith.addi %gather3A_1515, %select_n3A_1526 : vector<16xi32>
      %gt3A_1528 = arith.constant 255 : i32
      %gt3A_1529 = vector.broadcast %gt3A_1528 : i32 to vector<16xi32>
      %gt3A_1530 = arith.cmpi sgt, %add3A_1527, %gt3A_1529 : vector<16xi32>
      %jit3A_1531 = arith.constant 0 : i32
      %broadcast_in_dim3A_1532 = vector.broadcast %jit3A_1531 : i32 to vector<16xi32>
      %select_n3A_1533 = arith.select %gt3A_1530, %broadcast_in_dim3A_1532, %add3A_1527 : vector<16xi1>, vector<16xi32>
      %add3A_1534 = arith.constant 48 : i32
      %add3A_1535 = vector.broadcast %add3A_1534 : i32 to vector<16xi32>
      %add3A_1536 = arith.addi %add3A_1535, %iota3A_1502 : vector<16xi32>
      %mul3A_1537 = arith.constant 256 : i32
      %mul3A_1538 = vector.broadcast %mul3A_1537 : i32 to vector<16xi32>
      %mul3A_1539 = arith.muli %add3A_1536, %mul3A_1538 : vector<16xi32>
      %add3A_1540 = arith.addi %mul3A_1539, %select_n3A_1533 : vector<16xi32>
      tpu.vector_store_idx %arg7[%add3A_1540], %broadcast_in_dim3A_3 : memref<16384xf32, #tpu.memory_space<vmem>>[vector<16xi32>], vector<16xf32>,
      %iota3A_1541 = tpu.iota {dimensions = array<i32: 0>} : vector<16xi32>
      %mul3A_1542 = arith.constant 64 : i32
      %mul3A_1543 = arith.muli %add3A_1369, %mul3A_1542 : i32
      %add3A_1544 = arith.constant 0 : i32
      %add3A_1545 = arith.addi %mul3A_1543, %add3A_1544 : i32
      %add3A_1546 = vector.broadcast %add3A_1545 : i32 to vector<16xi32>
      %add3A_1547 = arith.addi %add3A_1546, %iota3A_1541 : vector<16xi32>
      %add3A_1548 = arith.constant 1 : i32
      %add3A_1549 = vector.broadcast %add3A_1548 : i32 to vector<16xi32>
      %add3A_1550 = arith.addi %add3A_1547, %add3A_1549 : vector<16xi32>
      %min3A_1551 = arith.constant 4095 : i32
      %min3A_1552 = vector.broadcast %min3A_1551 : i32 to vector<16xi32>
      %min3A_1553 = arith.minsi %add3A_1550, %min3A_1552 : vector<16xi32>
      %gather3A_1554 = tpu.vector_load_idx %arg4[%min3A_1553] : memref<4096xi32, #tpu.memory_space<vmem>>[vector<16xi32>], vector<16xi32>,
      %add3A_1555 = arith.constant 1 : i32
      %add3A_1556 = vector.broadcast %add3A_1555 : i32 to vector<16xi32>
      %add3A_1557 = arith.addi %add3A_1547, %add3A_1556 : vector<16xi32>
      %gt3A_1558 = arith.constant 4095 : i32
      %gt3A_1559 = vector.broadcast %gt3A_1558 : i32 to vector<16xi32>
      %gt3A_1560 = arith.cmpi sgt, %add3A_1557, %gt3A_1559 : vector<16xi32>
      %jit3A_1561 = arith.constant 1 : i32
      %jit3A_1562 = arith.constant 0 : i32
      %broadcast_in_dim3A_1563 = vector.broadcast %jit3A_1561 : i32 to vector<16xi32>
      %broadcast_in_dim3A_1564 = vector.broadcast %jit3A_1562 : i32 to vector<16xi32>
      %select_n3A_1565 = arith.select %gt3A_1560, %broadcast_in_dim3A_1563, %broadcast_in_dim3A_1564 : vector<16xi1>, vector<16xi32>
      %add3A_1566 = arith.addi %gather3A_1554, %select_n3A_1565 : vector<16xi32>
      %gt3A_1567 = arith.constant 255 : i32
      %gt3A_1568 = vector.broadcast %gt3A_1567 : i32 to vector<16xi32>
      %gt3A_1569 = arith.cmpi sgt, %add3A_1566, %gt3A_1568 : vector<16xi32>
      %jit3A_1570 = arith.constant 0 : i32
      %broadcast_in_dim3A_1571 = vector.broadcast %jit3A_1570 : i32 to vector<16xi32>
      %select_n3A_1572 = arith.select %gt3A_1569, %broadcast_in_dim3A_1571, %add3A_1566 : vector<16xi1>, vector<16xi32>
      %add3A_1573 = arith.constant 0 : i32
      %add3A_1574 = vector.broadcast %add3A_1573 : i32 to vector<16xi32>
      %add3A_1575 = arith.addi %add3A_1574, %iota3A_1541 : vector<16xi32>
      %mul3A_1576 = arith.constant 256 : i32
      %mul3A_1577 = vector.broadcast %mul3A_1576 : i32 to vector<16xi32>
      %mul3A_1578 = arith.muli %add3A_1575, %mul3A_1577 : vector<16xi32>
      %add3A_1579 = arith.addi %mul3A_1578, %select_n3A_1572 : vector<16xi32>
      tpu.vector_store_idx %arg7[%add3A_1579], %broadcast_in_dim3A_1 : memref<16384xf32, #tpu.memory_space<vmem>>[vector<16xi32>], vector<16xf32>,
      %iota3A_1580 = tpu.iota {dimensions = array<i32: 0>} : vector<16xi32>
      %mul3A_1581 = arith.constant 64 : i32
      %mul3A_1582 = arith.muli %add3A_1369, %mul3A_1581 : i32
      %add3A_1583 = arith.constant 16 : i32
      %add3A_1584 = arith.addi %mul3A_1582, %add3A_1583 : i32
      %add3A_1585 = vector.broadcast %add3A_1584 : i32 to vector<16xi32>
      %add3A_1586 = arith.addi %add3A_1585, %iota3A_1580 : vector<16xi32>
      %add3A_1587 = arith.constant 1 : i32
      %add3A_1588 = vector.broadcast %add3A_1587 : i32 to vector<16xi32>
      %add3A_1589 = arith.addi %add3A_1586, %add3A_1588 : vector<16xi32>
      %min3A_1590 = arith.constant 4095 : i32
      %min3A_1591 = vector.broadcast %min3A_1590 : i32 to vector<16xi32>
      %min3A_1592 = arith.minsi %add3A_1589, %min3A_1591 : vector<16xi32>
      %gather3A_1593 = tpu.vector_load_idx %arg4[%min3A_1592] : memref<4096xi32, #tpu.memory_space<vmem>>[vector<16xi32>], vector<16xi32>,
      %add3A_1594 = arith.constant 1 : i32
      %add3A_1595 = vector.broadcast %add3A_1594 : i32 to vector<16xi32>
      %add3A_1596 = arith.addi %add3A_1586, %add3A_1595 : vector<16xi32>
      %gt3A_1597 = arith.constant 4095 : i32
      %gt3A_1598 = vector.broadcast %gt3A_1597 : i32 to vector<16xi32>
      %gt3A_1599 = arith.cmpi sgt, %add3A_1596, %gt3A_1598 : vector<16xi32>
      %jit3A_1600 = arith.constant 1 : i32
      %jit3A_1601 = arith.constant 0 : i32
      %broadcast_in_dim3A_1602 = vector.broadcast %jit3A_1600 : i32 to vector<16xi32>
      %broadcast_in_dim3A_1603 = vector.broadcast %jit3A_1601 : i32 to vector<16xi32>
      %select_n3A_1604 = arith.select %gt3A_1599, %broadcast_in_dim3A_1602, %broadcast_in_dim3A_1603 : vector<16xi1>, vector<16xi32>
      %add3A_1605 = arith.addi %gather3A_1593, %select_n3A_1604 : vector<16xi32>
      %gt3A_1606 = arith.constant 255 : i32
      %gt3A_1607 = vector.broadcast %gt3A_1606 : i32 to vector<16xi32>
      %gt3A_1608 = arith.cmpi sgt, %add3A_1605, %gt3A_1607 : vector<16xi32>
      %jit3A_1609 = arith.constant 0 : i32
      %broadcast_in_dim3A_1610 = vector.broadcast %jit3A_1609 : i32 to vector<16xi32>
      %select_n3A_1611 = arith.select %gt3A_1608, %broadcast_in_dim3A_1610, %add3A_1605 : vector<16xi1>, vector<16xi32>
      %add3A_1612 = arith.constant 16 : i32
      %add3A_1613 = vector.broadcast %add3A_1612 : i32 to vector<16xi32>
      %add3A_1614 = arith.addi %add3A_1613, %iota3A_1580 : vector<16xi32>
      %mul3A_1615 = arith.constant 256 : i32
      %mul3A_1616 = vector.broadcast %mul3A_1615 : i32 to vector<16xi32>
      %mul3A_1617 = arith.muli %add3A_1614, %mul3A_1616 : vector<16xi32>
      %add3A_1618 = arith.addi %mul3A_1617, %select_n3A_1611 : vector<16xi32>
      tpu.vector_store_idx %arg7[%add3A_1618], %broadcast_in_dim3A_1 : memref<16384xf32, #tpu.memory_space<vmem>>[vector<16xi32>], vector<16xf32>,
      %iota3A_1619 = tpu.iota {dimensions = array<i32: 0>} : vector<16xi32>
      %mul3A_1620 = arith.constant 64 : i32
      %mul3A_1621 = arith.muli %add3A_1369, %mul3A_1620 : i32
      %add3A_1622 = arith.constant 32 : i32
      %add3A_1623 = arith.addi %mul3A_1621, %add3A_1622 : i32
      %add3A_1624 = vector.broadcast %add3A_1623 : i32 to vector<16xi32>
      %add3A_1625 = arith.addi %add3A_1624, %iota3A_1619 : vector<16xi32>
      %add3A_1626 = arith.constant 1 : i32
      %add3A_1627 = vector.broadcast %add3A_1626 : i32 to vector<16xi32>
      %add3A_1628 = arith.addi %add3A_1625, %add3A_1627 : vector<16xi32>
      %min3A_1629 = arith.constant 4095 : i32
      %min3A_1630 = vector.broadcast %min3A_1629 : i32 to vector<16xi32>
      %min3A_1631 = arith.minsi %add3A_1628, %min3A_1630 : vector<16xi32>
      %gather3A_1632 = tpu.vector_load_idx %arg4[%min3A_1631] : memref<4096xi32, #tpu.memory_space<vmem>>[vector<16xi32>], vector<16xi32>,
      %add3A_1633 = arith.constant 1 : i32
      %add3A_1634 = vector.broadcast %add3A_1633 : i32 to vector<16xi32>
      %add3A_1635 = arith.addi %add3A_1625, %add3A_1634 : vector<16xi32>
      %gt3A_1636 = arith.constant 4095 : i32
      %gt3A_1637 = vector.broadcast %gt3A_1636 : i32 to vector<16xi32>
      %gt3A_1638 = arith.cmpi sgt, %add3A_1635, %gt3A_1637 : vector<16xi32>
      %jit3A_1639 = arith.constant 1 : i32
      %jit3A_1640 = arith.constant 0 : i32
      %broadcast_in_dim3A_1641 = vector.broadcast %jit3A_1639 : i32 to vector<16xi32>
      %broadcast_in_dim3A_1642 = vector.broadcast %jit3A_1640 : i32 to vector<16xi32>
      %select_n3A_1643 = arith.select %gt3A_1638, %broadcast_in_dim3A_1641, %broadcast_in_dim3A_1642 : vector<16xi1>, vector<16xi32>
      %add3A_1644 = arith.addi %gather3A_1632, %select_n3A_1643 : vector<16xi32>
      %gt3A_1645 = arith.constant 255 : i32
      %gt3A_1646 = vector.broadcast %gt3A_1645 : i32 to vector<16xi32>
      %gt3A_1647 = arith.cmpi sgt, %add3A_1644, %gt3A_1646 : vector<16xi32>
      %jit3A_1648 = arith.constant 0 : i32
      %broadcast_in_dim3A_1649 = vector.broadcast %jit3A_1648 : i32 to vector<16xi32>
      %select_n3A_1650 = arith.select %gt3A_1647, %broadcast_in_dim3A_1649, %add3A_1644 : vector<16xi1>, vector<16xi32>
      %add3A_1651 = arith.constant 32 : i32
      %add3A_1652 = vector.broadcast %add3A_1651 : i32 to vector<16xi32>
      %add3A_1653 = arith.addi %add3A_1652, %iota3A_1619 : vector<16xi32>
      %mul3A_1654 = arith.constant 256 : i32
      %mul3A_1655 = vector.broadcast %mul3A_1654 : i32 to vector<16xi32>
      %mul3A_1656 = arith.muli %add3A_1653, %mul3A_1655 : vector<16xi32>
      %add3A_1657 = arith.addi %mul3A_1656, %select_n3A_1650 : vector<16xi32>
      tpu.vector_store_idx %arg7[%add3A_1657], %broadcast_in_dim3A_1 : memref<16384xf32, #tpu.memory_space<vmem>>[vector<16xi32>], vector<16xf32>,
      %iota3A_1658 = tpu.iota {dimensions = array<i32: 0>} : vector<16xi32>
      %mul3A_1659 = arith.constant 64 : i32
      %mul3A_1660 = arith.muli %add3A_1369, %mul3A_1659 : i32
      %add3A_1661 = arith.constant 48 : i32
      %add3A_1662 = arith.addi %mul3A_1660, %add3A_1661 : i32
      %add3A_1663 = vector.broadcast %add3A_1662 : i32 to vector<16xi32>
      %add3A_1664 = arith.addi %add3A_1663, %iota3A_1658 : vector<16xi32>
      %add3A_1665 = arith.constant 1 : i32
      %add3A_1666 = vector.broadcast %add3A_1665 : i32 to vector<16xi32>
      %add3A_1667 = arith.addi %add3A_1664, %add3A_1666 : vector<16xi32>
      %min3A_1668 = arith.constant 4095 : i32
      %min3A_1669 = vector.broadcast %min3A_1668 : i32 to vector<16xi32>
      %min3A_1670 = arith.minsi %add3A_1667, %min3A_1669 : vector<16xi32>
      %gather3A_1671 = tpu.vector_load_idx %arg4[%min3A_1670] : memref<4096xi32, #tpu.memory_space<vmem>>[vector<16xi32>], vector<16xi32>,
      %add3A_1672 = arith.constant 1 : i32
      %add3A_1673 = vector.broadcast %add3A_1672 : i32 to vector<16xi32>
      %add3A_1674 = arith.addi %add3A_1664, %add3A_1673 : vector<16xi32>
      %gt3A_1675 = arith.constant 4095 : i32
      %gt3A_1676 = vector.broadcast %gt3A_1675 : i32 to vector<16xi32>
      %gt3A_1677 = arith.cmpi sgt, %add3A_1674, %gt3A_1676 : vector<16xi32>
      %jit3A_1678 = arith.constant 1 : i32
      %jit3A_1679 = arith.constant 0 : i32
      %broadcast_in_dim3A_1680 = vector.broadcast %jit3A_1678 : i32 to vector<16xi32>
      %broadcast_in_dim3A_1681 = vector.broadcast %jit3A_1679 : i32 to vector<16xi32>
      %select_n3A_1682 = arith.select %gt3A_1677, %broadcast_in_dim3A_1680, %broadcast_in_dim3A_1681 : vector<16xi1>, vector<16xi32>
      %add3A_1683 = arith.addi %gather3A_1671, %select_n3A_1682 : vector<16xi32>
      %gt3A_1684 = arith.constant 255 : i32
      %gt3A_1685 = vector.broadcast %gt3A_1684 : i32 to vector<16xi32>
      %gt3A_1686 = arith.cmpi sgt, %add3A_1683, %gt3A_1685 : vector<16xi32>
      %jit3A_1687 = arith.constant 0 : i32
      %broadcast_in_dim3A_1688 = vector.broadcast %jit3A_1687 : i32 to vector<16xi32>
      %select_n3A_1689 = arith.select %gt3A_1686, %broadcast_in_dim3A_1688, %add3A_1683 : vector<16xi1>, vector<16xi32>
      %add3A_1690 = arith.constant 48 : i32
      %add3A_1691 = vector.broadcast %add3A_1690 : i32 to vector<16xi32>
      %add3A_1692 = arith.addi %add3A_1691, %iota3A_1658 : vector<16xi32>
      %mul3A_1693 = arith.constant 256 : i32
      %mul3A_1694 = vector.broadcast %mul3A_1693 : i32 to vector<16xi32>
      %mul3A_1695 = arith.muli %add3A_1692, %mul3A_1694 : vector<16xi32>
      %add3A_1696 = arith.addi %mul3A_1695, %select_n3A_1689 : vector<16xi32>
      tpu.vector_store_idx %arg7[%add3A_1696], %broadcast_in_dim3A_1 : memref<16384xf32, #tpu.memory_space<vmem>>[vector<16xi32>], vector<16xf32>,
      %mul3A_1697 = arith.constant 16384 : i32
      %mul3A_1698 = arith.muli %add3A_1369, %mul3A_1697 : i32
      %add3A_1699 = arith.addi %mul3A_13, %mul3A_1698 : i32
      %dma_start3A_1700 = tpu.memref_slice %arg3[%add3A_1699] : memref<33554432xf32, #tpu.memory_space<hbm>> -> memref<16384xf32, #tpu.memory_space<hbm>>
      %dma_start3A_1701 = tpu.memref_slice %arg3[%add3A_1699] : memref<33554432xf32, #tpu.memory_space<hbm>> -> memref<16384xf32, #tpu.memory_space<hbm>>
      tpu.enqueue_dma source(%arg7 : memref<16384xf32, #tpu.memory_space<vmem>>) target(%dma_start3A_1701 : memref<16384xf32, #tpu.memory_space<hbm>>) target_semaphore(%arg11 : memref<!tpu.dma_semaphore, #tpu.memory_space<semaphore_mem>>)
      %mul3A_1702 = arith.constant 4 : i32
      %mul3A_1703 = arith.muli %scan3A_693, %mul3A_1702 : i32
      %add3A_1704 = arith.constant 3 : i32
      %add3A_1705 = arith.addi %mul3A_1703, %add3A_1704 : i32
      %sub3A_1706 = arith.constant 4 : i32
      %sub3A_1707 = arith.subi %add3A_1705, %sub3A_1706 : i32
      %mul3A_1708 = arith.constant 16384 : i32
      %mul3A_1709 = arith.muli %sub3A_1707, %mul3A_1708 : i32
      %add3A_1710 = arith.addi %mul3A_13, %mul3A_1709 : i32
      %dma_wait3A_1711 = tpu.memref_slice %arg3[%add3A_1710] : memref<33554432xf32, #tpu.memory_space<hbm>> -> memref<16384xf32, #tpu.memory_space<hbm>>
      %dma_wait3A_1712 = tpu.memref_slice %arg3[%add3A_1710] : memref<33554432xf32, #tpu.memory_space<hbm>> -> memref<16384xf32, #tpu.memory_space<hbm>>
      tpu.wait_dma2 semaphore(%arg12 : memref<!tpu.dma_semaphore, #tpu.memory_space<semaphore_mem>>) src(%arg8 : memref<16384xf32, #tpu.memory_space<vmem>>) dst(%dma_wait3A_1712 : memref<16384xf32, #tpu.memory_space<hbm>>)
      %sub3A_1713 = arith.constant 4 : i32
      %sub3A_1714 = arith.subi %add3A_1705, %sub3A_1713 : i32
      %iota3A_1715 = tpu.iota {dimensions = array<i32: 0>} : vector<16xi32>
      %mul3A_1716 = arith.constant 64 : i32
      %mul3A_1717 = arith.muli %sub3A_1714, %mul3A_1716 : i32
      %add3A_1718 = arith.constant 0 : i32
      %add3A_1719 = arith.addi %mul3A_1717, %add3A_1718 : i32
      %add3A_1720 = vector.broadcast %add3A_1719 : i32 to vector<16xi32>
      %add3A_1721 = arith.addi %add3A_1720, %iota3A_1715 : vector<16xi32>
      %add3A_1722 = arith.constant 1 : i32
      %add3A_1723 = vector.broadcast %add3A_1722 : i32 to vector<16xi32>
      %add3A_1724 = arith.addi %add3A_1721, %add3A_1723 : vector<16xi32>
      %min3A_1725 = arith.constant 4095 : i32
      %min3A_1726 = vector.broadcast %min3A_1725 : i32 to vector<16xi32>
      %min3A_1727 = arith.minsi %add3A_1724, %min3A_1726 : vector<16xi32>
      %gather3A_1728 = tpu.vector_load_idx %arg4[%min3A_1727] : memref<4096xi32, #tpu.memory_space<vmem>>[vector<16xi32>], vector<16xi32>,
      %add3A_1729 = arith.constant 1 : i32
      %add3A_1730 = vector.broadcast %add3A_1729 : i32 to vector<16xi32>
      %add3A_1731 = arith.addi %add3A_1721, %add3A_1730 : vector<16xi32>
      %gt3A_1732 = arith.constant 4095 : i32
      %gt3A_1733 = vector.broadcast %gt3A_1732 : i32 to vector<16xi32>
      %gt3A_1734 = arith.cmpi sgt, %add3A_1731, %gt3A_1733 : vector<16xi32>
      %jit3A_1735 = arith.constant 1 : i32
      %jit3A_1736 = arith.constant 0 : i32
      %broadcast_in_dim3A_1737 = vector.broadcast %jit3A_1735 : i32 to vector<16xi32>
      %broadcast_in_dim3A_1738 = vector.broadcast %jit3A_1736 : i32 to vector<16xi32>
      %select_n3A_1739 = arith.select %gt3A_1734, %broadcast_in_dim3A_1737, %broadcast_in_dim3A_1738 : vector<16xi1>, vector<16xi32>
      %add3A_1740 = arith.addi %gather3A_1728, %select_n3A_1739 : vector<16xi32>
      %gt3A_1741 = arith.constant 255 : i32
      %gt3A_1742 = vector.broadcast %gt3A_1741 : i32 to vector<16xi32>
      %gt3A_1743 = arith.cmpi sgt, %add3A_1740, %gt3A_1742 : vector<16xi32>
      %jit3A_1744 = arith.constant 0 : i32
      %broadcast_in_dim3A_1745 = vector.broadcast %jit3A_1744 : i32 to vector<16xi32>
      %select_n3A_1746 = arith.select %gt3A_1743, %broadcast_in_dim3A_1745, %add3A_1740 : vector<16xi1>, vector<16xi32>
      %add3A_1747 = arith.constant 0 : i32
      %add3A_1748 = vector.broadcast %add3A_1747 : i32 to vector<16xi32>
      %add3A_1749 = arith.addi %add3A_1748, %iota3A_1715 : vector<16xi32>
      %mul3A_1750 = arith.constant 256 : i32
      %mul3A_1751 = vector.broadcast %mul3A_1750 : i32 to vector<16xi32>
      %mul3A_1752 = arith.muli %add3A_1749, %mul3A_1751 : vector<16xi32>
      %add3A_1753 = arith.addi %mul3A_1752, %select_n3A_1746 : vector<16xi32>
      tpu.vector_store_idx %arg8[%add3A_1753], %broadcast_in_dim3A_3 : memref<16384xf32, #tpu.memory_space<vmem>>[vector<16xi32>], vector<16xf32>,
      %sub3A_1754 = arith.constant 4 : i32
      %sub3A_1755 = arith.subi %add3A_1705, %sub3A_1754 : i32
      %iota3A_1756 = tpu.iota {dimensions = array<i32: 0>} : vector<16xi32>
      %mul3A_1757 = arith.constant 64 : i32
      %mul3A_1758 = arith.muli %sub3A_1755, %mul3A_1757 : i32
      %add3A_1759 = arith.constant 16 : i32
      %add3A_1760 = arith.addi %mul3A_1758, %add3A_1759 : i32
      %add3A_1761 = vector.broadcast %add3A_1760 : i32 to vector<16xi32>
      %add3A_1762 = arith.addi %add3A_1761, %iota3A_1756 : vector<16xi32>
      %add3A_1763 = arith.constant 1 : i32
      %add3A_1764 = vector.broadcast %add3A_1763 : i32 to vector<16xi32>
      %add3A_1765 = arith.addi %add3A_1762, %add3A_1764 : vector<16xi32>
      %min3A_1766 = arith.constant 4095 : i32
      %min3A_1767 = vector.broadcast %min3A_1766 : i32 to vector<16xi32>
      %min3A_1768 = arith.minsi %add3A_1765, %min3A_1767 : vector<16xi32>
      %gather3A_1769 = tpu.vector_load_idx %arg4[%min3A_1768] : memref<4096xi32, #tpu.memory_space<vmem>>[vector<16xi32>], vector<16xi32>,
      %add3A_1770 = arith.constant 1 : i32
      %add3A_1771 = vector.broadcast %add3A_1770 : i32 to vector<16xi32>
      %add3A_1772 = arith.addi %add3A_1762, %add3A_1771 : vector<16xi32>
      %gt3A_1773 = arith.constant 4095 : i32
      %gt3A_1774 = vector.broadcast %gt3A_1773 : i32 to vector<16xi32>
      %gt3A_1775 = arith.cmpi sgt, %add3A_1772, %gt3A_1774 : vector<16xi32>
      %jit3A_1776 = arith.constant 1 : i32
      %jit3A_1777 = arith.constant 0 : i32
      %broadcast_in_dim3A_1778 = vector.broadcast %jit3A_1776 : i32 to vector<16xi32>
      %broadcast_in_dim3A_1779 = vector.broadcast %jit3A_1777 : i32 to vector<16xi32>
      %select_n3A_1780 = arith.select %gt3A_1775, %broadcast_in_dim3A_1778, %broadcast_in_dim3A_1779 : vector<16xi1>, vector<16xi32>
      %add3A_1781 = arith.addi %gather3A_1769, %select_n3A_1780 : vector<16xi32>
      %gt3A_1782 = arith.constant 255 : i32
      %gt3A_1783 = vector.broadcast %gt3A_1782 : i32 to vector<16xi32>
      %gt3A_1784 = arith.cmpi sgt, %add3A_1781, %gt3A_1783 : vector<16xi32>
      %jit3A_1785 = arith.constant 0 : i32
      %broadcast_in_dim3A_1786 = vector.broadcast %jit3A_1785 : i32 to vector<16xi32>
      %select_n3A_1787 = arith.select %gt3A_1784, %broadcast_in_dim3A_1786, %add3A_1781 : vector<16xi1>, vector<16xi32>
      %add3A_1788 = arith.constant 16 : i32
      %add3A_1789 = vector.broadcast %add3A_1788 : i32 to vector<16xi32>
      %add3A_1790 = arith.addi %add3A_1789, %iota3A_1756 : vector<16xi32>
      %mul3A_1791 = arith.constant 256 : i32
      %mul3A_1792 = vector.broadcast %mul3A_1791 : i32 to vector<16xi32>
      %mul3A_1793 = arith.muli %add3A_1790, %mul3A_1792 : vector<16xi32>
      %add3A_1794 = arith.addi %mul3A_1793, %select_n3A_1787 : vector<16xi32>
      tpu.vector_store_idx %arg8[%add3A_1794], %broadcast_in_dim3A_3 : memref<16384xf32, #tpu.memory_space<vmem>>[vector<16xi32>], vector<16xf32>,
      %sub3A_1795 = arith.constant 4 : i32
      %sub3A_1796 = arith.subi %add3A_1705, %sub3A_1795 : i32
      %iota3A_1797 = tpu.iota {dimensions = array<i32: 0>} : vector<16xi32>
      %mul3A_1798 = arith.constant 64 : i32
      %mul3A_1799 = arith.muli %sub3A_1796, %mul3A_1798 : i32
      %add3A_1800 = arith.constant 32 : i32
      %add3A_1801 = arith.addi %mul3A_1799, %add3A_1800 : i32
      %add3A_1802 = vector.broadcast %add3A_1801 : i32 to vector<16xi32>
      %add3A_1803 = arith.addi %add3A_1802, %iota3A_1797 : vector<16xi32>
      %add3A_1804 = arith.constant 1 : i32
      %add3A_1805 = vector.broadcast %add3A_1804 : i32 to vector<16xi32>
      %add3A_1806 = arith.addi %add3A_1803, %add3A_1805 : vector<16xi32>
      %min3A_1807 = arith.constant 4095 : i32
      %min3A_1808 = vector.broadcast %min3A_1807 : i32 to vector<16xi32>
      %min3A_1809 = arith.minsi %add3A_1806, %min3A_1808 : vector<16xi32>
      %gather3A_1810 = tpu.vector_load_idx %arg4[%min3A_1809] : memref<4096xi32, #tpu.memory_space<vmem>>[vector<16xi32>], vector<16xi32>,
      %add3A_1811 = arith.constant 1 : i32
      %add3A_1812 = vector.broadcast %add3A_1811 : i32 to vector<16xi32>
      %add3A_1813 = arith.addi %add3A_1803, %add3A_1812 : vector<16xi32>
      %gt3A_1814 = arith.constant 4095 : i32
      %gt3A_1815 = vector.broadcast %gt3A_1814 : i32 to vector<16xi32>
      %gt3A_1816 = arith.cmpi sgt, %add3A_1813, %gt3A_1815 : vector<16xi32>
      %jit3A_1817 = arith.constant 1 : i32
      %jit3A_1818 = arith.constant 0 : i32
      %broadcast_in_dim3A_1819 = vector.broadcast %jit3A_1817 : i32 to vector<16xi32>
      %broadcast_in_dim3A_1820 = vector.broadcast %jit3A_1818 : i32 to vector<16xi32>
      %select_n3A_1821 = arith.select %gt3A_1816, %broadcast_in_dim3A_1819, %broadcast_in_dim3A_1820 : vector<16xi1>, vector<16xi32>
      %add3A_1822 = arith.addi %gather3A_1810, %select_n3A_1821 : vector<16xi32>
      %gt3A_1823 = arith.constant 255 : i32
      %gt3A_1824 = vector.broadcast %gt3A_1823 : i32 to vector<16xi32>
      %gt3A_1825 = arith.cmpi sgt, %add3A_1822, %gt3A_1824 : vector<16xi32>
      %jit3A_1826 = arith.constant 0 : i32
      %broadcast_in_dim3A_1827 = vector.broadcast %jit3A_1826 : i32 to vector<16xi32>
      %select_n3A_1828 = arith.select %gt3A_1825, %broadcast_in_dim3A_1827, %add3A_1822 : vector<16xi1>, vector<16xi32>
      %add3A_1829 = arith.constant 32 : i32
      %add3A_1830 = vector.broadcast %add3A_1829 : i32 to vector<16xi32>
      %add3A_1831 = arith.addi %add3A_1830, %iota3A_1797 : vector<16xi32>
      %mul3A_1832 = arith.constant 256 : i32
      %mul3A_1833 = vector.broadcast %mul3A_1832 : i32 to vector<16xi32>
      %mul3A_1834 = arith.muli %add3A_1831, %mul3A_1833 : vector<16xi32>
      %add3A_1835 = arith.addi %mul3A_1834, %select_n3A_1828 : vector<16xi32>
      tpu.vector_store_idx %arg8[%add3A_1835], %broadcast_in_dim3A_3 : memref<16384xf32, #tpu.memory_space<vmem>>[vector<16xi32>], vector<16xf32>,
      %sub3A_1836 = arith.constant 4 : i32
      %sub3A_1837 = arith.subi %add3A_1705, %sub3A_1836 : i32
      %iota3A_1838 = tpu.iota {dimensions = array<i32: 0>} : vector<16xi32>
      %mul3A_1839 = arith.constant 64 : i32
      %mul3A_1840 = arith.muli %sub3A_1837, %mul3A_1839 : i32
      %add3A_1841 = arith.constant 48 : i32
      %add3A_1842 = arith.addi %mul3A_1840, %add3A_1841 : i32
      %add3A_1843 = vector.broadcast %add3A_1842 : i32 to vector<16xi32>
      %add3A_1844 = arith.addi %add3A_1843, %iota3A_1838 : vector<16xi32>
      %add3A_1845 = arith.constant 1 : i32
      %add3A_1846 = vector.broadcast %add3A_1845 : i32 to vector<16xi32>
      %add3A_1847 = arith.addi %add3A_1844, %add3A_1846 : vector<16xi32>
      %min3A_1848 = arith.constant 4095 : i32
      %min3A_1849 = vector.broadcast %min3A_1848 : i32 to vector<16xi32>
      %min3A_1850 = arith.minsi %add3A_1847, %min3A_1849 : vector<16xi32>
      %gather3A_1851 = tpu.vector_load_idx %arg4[%min3A_1850] : memref<4096xi32, #tpu.memory_space<vmem>>[vector<16xi32>], vector<16xi32>,
      %add3A_1852 = arith.constant 1 : i32
      %add3A_1853 = vector.broadcast %add3A_1852 : i32 to vector<16xi32>
      %add3A_1854 = arith.addi %add3A_1844, %add3A_1853 : vector<16xi32>
      %gt3A_1855 = arith.constant 4095 : i32
      %gt3A_1856 = vector.broadcast %gt3A_1855 : i32 to vector<16xi32>
      %gt3A_1857 = arith.cmpi sgt, %add3A_1854, %gt3A_1856 : vector<16xi32>
      %jit3A_1858 = arith.constant 1 : i32
      %jit3A_1859 = arith.constant 0 : i32
      %broadcast_in_dim3A_1860 = vector.broadcast %jit3A_1858 : i32 to vector<16xi32>
      %broadcast_in_dim3A_1861 = vector.broadcast %jit3A_1859 : i32 to vector<16xi32>
      %select_n3A_1862 = arith.select %gt3A_1857, %broadcast_in_dim3A_1860, %broadcast_in_dim3A_1861 : vector<16xi1>, vector<16xi32>
      %add3A_1863 = arith.addi %gather3A_1851, %select_n3A_1862 : vector<16xi32>
      %gt3A_1864 = arith.constant 255 : i32
      %gt3A_1865 = vector.broadcast %gt3A_1864 : i32 to vector<16xi32>
      %gt3A_1866 = arith.cmpi sgt, %add3A_1863, %gt3A_1865 : vector<16xi32>
      %jit3A_1867 = arith.constant 0 : i32
      %broadcast_in_dim3A_1868 = vector.broadcast %jit3A_1867 : i32 to vector<16xi32>
      %select_n3A_1869 = arith.select %gt3A_1866, %broadcast_in_dim3A_1868, %add3A_1863 : vector<16xi1>, vector<16xi32>
      %add3A_1870 = arith.constant 48 : i32
      %add3A_1871 = vector.broadcast %add3A_1870 : i32 to vector<16xi32>
      %add3A_1872 = arith.addi %add3A_1871, %iota3A_1838 : vector<16xi32>
      %mul3A_1873 = arith.constant 256 : i32
      %mul3A_1874 = vector.broadcast %mul3A_1873 : i32 to vector<16xi32>
      %mul3A_1875 = arith.muli %add3A_1872, %mul3A_1874 : vector<16xi32>
      %add3A_1876 = arith.addi %mul3A_1875, %select_n3A_1869 : vector<16xi32>
      tpu.vector_store_idx %arg8[%add3A_1876], %broadcast_in_dim3A_3 : memref<16384xf32, #tpu.memory_space<vmem>>[vector<16xi32>], vector<16xf32>,
      %iota3A_1877 = tpu.iota {dimensions = array<i32: 0>} : vector<16xi32>
      %mul3A_1878 = arith.constant 64 : i32
      %mul3A_1879 = arith.muli %add3A_1705, %mul3A_1878 : i32
      %add3A_1880 = arith.constant 0 : i32
      %add3A_1881 = arith.addi %mul3A_1879, %add3A_1880 : i32
      %add3A_1882 = vector.broadcast %add3A_1881 : i32 to vector<16xi32>
      %add3A_1883 = arith.addi %add3A_1882, %iota3A_1877 : vector<16xi32>
      %add3A_1884 = arith.constant 1 : i32
      %add3A_1885 = vector.broadcast %add3A_1884 : i32 to vector<16xi32>
      %add3A_1886 = arith.addi %add3A_1883, %add3A_1885 : vector<16xi32>
      %min3A_1887 = arith.constant 4095 : i32
      %min3A_1888 = vector.broadcast %min3A_1887 : i32 to vector<16xi32>
      %min3A_1889 = arith.minsi %add3A_1886, %min3A_1888 : vector<16xi32>
      %gather3A_1890 = tpu.vector_load_idx %arg4[%min3A_1889] : memref<4096xi32, #tpu.memory_space<vmem>>[vector<16xi32>], vector<16xi32>,
      %add3A_1891 = arith.constant 1 : i32
      %add3A_1892 = vector.broadcast %add3A_1891 : i32 to vector<16xi32>
      %add3A_1893 = arith.addi %add3A_1883, %add3A_1892 : vector<16xi32>
      %gt3A_1894 = arith.constant 4095 : i32
      %gt3A_1895 = vector.broadcast %gt3A_1894 : i32 to vector<16xi32>
      %gt3A_1896 = arith.cmpi sgt, %add3A_1893, %gt3A_1895 : vector<16xi32>
      %jit3A_1897 = arith.constant 1 : i32
      %jit3A_1898 = arith.constant 0 : i32
      %broadcast_in_dim3A_1899 = vector.broadcast %jit3A_1897 : i32 to vector<16xi32>
      %broadcast_in_dim3A_1900 = vector.broadcast %jit3A_1898 : i32 to vector<16xi32>
      %select_n3A_1901 = arith.select %gt3A_1896, %broadcast_in_dim3A_1899, %broadcast_in_dim3A_1900 : vector<16xi1>, vector<16xi32>
      %add3A_1902 = arith.addi %gather3A_1890, %select_n3A_1901 : vector<16xi32>
      %gt3A_1903 = arith.constant 255 : i32
      %gt3A_1904 = vector.broadcast %gt3A_1903 : i32 to vector<16xi32>
      %gt3A_1905 = arith.cmpi sgt, %add3A_1902, %gt3A_1904 : vector<16xi32>
      %jit3A_1906 = arith.constant 0 : i32
      %broadcast_in_dim3A_1907 = vector.broadcast %jit3A_1906 : i32 to vector<16xi32>
      %select_n3A_1908 = arith.select %gt3A_1905, %broadcast_in_dim3A_1907, %add3A_1902 : vector<16xi1>, vector<16xi32>
      %add3A_1909 = arith.constant 0 : i32
      %add3A_1910 = vector.broadcast %add3A_1909 : i32 to vector<16xi32>
      %add3A_1911 = arith.addi %add3A_1910, %iota3A_1877 : vector<16xi32>
      %mul3A_1912 = arith.constant 256 : i32
      %mul3A_1913 = vector.broadcast %mul3A_1912 : i32 to vector<16xi32>
      %mul3A_1914 = arith.muli %add3A_1911, %mul3A_1913 : vector<16xi32>
      %add3A_1915 = arith.addi %mul3A_1914, %select_n3A_1908 : vector<16xi32>
      tpu.vector_store_idx %arg8[%add3A_1915], %broadcast_in_dim3A_1 : memref<16384xf32, #tpu.memory_space<vmem>>[vector<16xi32>], vector<16xf32>,
      %iota3A_1916 = tpu.iota {dimensions = array<i32: 0>} : vector<16xi32>
      %mul3A_1917 = arith.constant 64 : i32
      %mul3A_1918 = arith.muli %add3A_1705, %mul3A_1917 : i32
      %add3A_1919 = arith.constant 16 : i32
      %add3A_1920 = arith.addi %mul3A_1918, %add3A_1919 : i32
      %add3A_1921 = vector.broadcast %add3A_1920 : i32 to vector<16xi32>
      %add3A_1922 = arith.addi %add3A_1921, %iota3A_1916 : vector<16xi32>
      %add3A_1923 = arith.constant 1 : i32
      %add3A_1924 = vector.broadcast %add3A_1923 : i32 to vector<16xi32>
      %add3A_1925 = arith.addi %add3A_1922, %add3A_1924 : vector<16xi32>
      %min3A_1926 = arith.constant 4095 : i32
      %min3A_1927 = vector.broadcast %min3A_1926 : i32 to vector<16xi32>
      %min3A_1928 = arith.minsi %add3A_1925, %min3A_1927 : vector<16xi32>
      %gather3A_1929 = tpu.vector_load_idx %arg4[%min3A_1928] : memref<4096xi32, #tpu.memory_space<vmem>>[vector<16xi32>], vector<16xi32>,
      %add3A_1930 = arith.constant 1 : i32
      %add3A_1931 = vector.broadcast %add3A_1930 : i32 to vector<16xi32>
      %add3A_1932 = arith.addi %add3A_1922, %add3A_1931 : vector<16xi32>
      %gt3A_1933 = arith.constant 4095 : i32
      %gt3A_1934 = vector.broadcast %gt3A_1933 : i32 to vector<16xi32>
      %gt3A_1935 = arith.cmpi sgt, %add3A_1932, %gt3A_1934 : vector<16xi32>
      %jit3A_1936 = arith.constant 1 : i32
      %jit3A_1937 = arith.constant 0 : i32
      %broadcast_in_dim3A_1938 = vector.broadcast %jit3A_1936 : i32 to vector<16xi32>
      %broadcast_in_dim3A_1939 = vector.broadcast %jit3A_1937 : i32 to vector<16xi32>
      %select_n3A_1940 = arith.select %gt3A_1935, %broadcast_in_dim3A_1938, %broadcast_in_dim3A_1939 : vector<16xi1>, vector<16xi32>
      %add3A_1941 = arith.addi %gather3A_1929, %select_n3A_1940 : vector<16xi32>
      %gt3A_1942 = arith.constant 255 : i32
      %gt3A_1943 = vector.broadcast %gt3A_1942 : i32 to vector<16xi32>
      %gt3A_1944 = arith.cmpi sgt, %add3A_1941, %gt3A_1943 : vector<16xi32>
      %jit3A_1945 = arith.constant 0 : i32
      %broadcast_in_dim3A_1946 = vector.broadcast %jit3A_1945 : i32 to vector<16xi32>
      %select_n3A_1947 = arith.select %gt3A_1944, %broadcast_in_dim3A_1946, %add3A_1941 : vector<16xi1>, vector<16xi32>
      %add3A_1948 = arith.constant 16 : i32
      %add3A_1949 = vector.broadcast %add3A_1948 : i32 to vector<16xi32>
      %add3A_1950 = arith.addi %add3A_1949, %iota3A_1916 : vector<16xi32>
      %mul3A_1951 = arith.constant 256 : i32
      %mul3A_1952 = vector.broadcast %mul3A_1951 : i32 to vector<16xi32>
      %mul3A_1953 = arith.muli %add3A_1950, %mul3A_1952 : vector<16xi32>
      %add3A_1954 = arith.addi %mul3A_1953, %select_n3A_1947 : vector<16xi32>
      tpu.vector_store_idx %arg8[%add3A_1954], %broadcast_in_dim3A_1 : memref<16384xf32, #tpu.memory_space<vmem>>[vector<16xi32>], vector<16xf32>,
      %iota3A_1955 = tpu.iota {dimensions = array<i32: 0>} : vector<16xi32>
      %mul3A_1956 = arith.constant 64 : i32
      %mul3A_1957 = arith.muli %add3A_1705, %mul3A_1956 : i32
      %add3A_1958 = arith.constant 32 : i32
      %add3A_1959 = arith.addi %mul3A_1957, %add3A_1958 : i32
      %add3A_1960 = vector.broadcast %add3A_1959 : i32 to vector<16xi32>
      %add3A_1961 = arith.addi %add3A_1960, %iota3A_1955 : vector<16xi32>
      %add3A_1962 = arith.constant 1 : i32
      %add3A_1963 = vector.broadcast %add3A_1962 : i32 to vector<16xi32>
      %add3A_1964 = arith.addi %add3A_1961, %add3A_1963 : vector<16xi32>
      %min3A_1965 = arith.constant 4095 : i32
      %min3A_1966 = vector.broadcast %min3A_1965 : i32 to vector<16xi32>
      %min3A_1967 = arith.minsi %add3A_1964, %min3A_1966 : vector<16xi32>
      %gather3A_1968 = tpu.vector_load_idx %arg4[%min3A_1967] : memref<4096xi32, #tpu.memory_space<vmem>>[vector<16xi32>], vector<16xi32>,
      %add3A_1969 = arith.constant 1 : i32
      %add3A_1970 = vector.broadcast %add3A_1969 : i32 to vector<16xi32>
      %add3A_1971 = arith.addi %add3A_1961, %add3A_1970 : vector<16xi32>
      %gt3A_1972 = arith.constant 4095 : i32
      %gt3A_1973 = vector.broadcast %gt3A_1972 : i32 to vector<16xi32>
      %gt3A_1974 = arith.cmpi sgt, %add3A_1971, %gt3A_1973 : vector<16xi32>
      %jit3A_1975 = arith.constant 1 : i32
      %jit3A_1976 = arith.constant 0 : i32
      %broadcast_in_dim3A_1977 = vector.broadcast %jit3A_1975 : i32 to vector<16xi32>
      %broadcast_in_dim3A_1978 = vector.broadcast %jit3A_1976 : i32 to vector<16xi32>
      %select_n3A_1979 = arith.select %gt3A_1974, %broadcast_in_dim3A_1977, %broadcast_in_dim3A_1978 : vector<16xi1>, vector<16xi32>
      %add3A_1980 = arith.addi %gather3A_1968, %select_n3A_1979 : vector<16xi32>
      %gt3A_1981 = arith.constant 255 : i32
      %gt3A_1982 = vector.broadcast %gt3A_1981 : i32 to vector<16xi32>
      %gt3A_1983 = arith.cmpi sgt, %add3A_1980, %gt3A_1982 : vector<16xi32>
      %jit3A_1984 = arith.constant 0 : i32
      %broadcast_in_dim3A_1985 = vector.broadcast %jit3A_1984 : i32 to vector<16xi32>
      %select_n3A_1986 = arith.select %gt3A_1983, %broadcast_in_dim3A_1985, %add3A_1980 : vector<16xi1>, vector<16xi32>
      %add3A_1987 = arith.constant 32 : i32
      %add3A_1988 = vector.broadcast %add3A_1987 : i32 to vector<16xi32>
      %add3A_1989 = arith.addi %add3A_1988, %iota3A_1955 : vector<16xi32>
      %mul3A_1990 = arith.constant 256 : i32
      %mul3A_1991 = vector.broadcast %mul3A_1990 : i32 to vector<16xi32>
      %mul3A_1992 = arith.muli %add3A_1989, %mul3A_1991 : vector<16xi32>
      %add3A_1993 = arith.addi %mul3A_1992, %select_n3A_1986 : vector<16xi32>
      tpu.vector_store_idx %arg8[%add3A_1993], %broadcast_in_dim3A_1 : memref<16384xf32, #tpu.memory_space<vmem>>[vector<16xi32>], vector<16xf32>,
      %iota3A_1994 = tpu.iota {dimensions = array<i32: 0>} : vector<16xi32>
      %mul3A_1995 = arith.constant 64 : i32
      %mul3A_1996 = arith.muli %add3A_1705, %mul3A_1995 : i32
      %add3A_1997 = arith.constant 48 : i32
      %add3A_1998 = arith.addi %mul3A_1996, %add3A_1997 : i32
      %add3A_1999 = vector.broadcast %add3A_1998 : i32 to vector<16xi32>
      %add3A_2000 = arith.addi %add3A_1999, %iota3A_1994 : vector<16xi32>
      %add3A_2001 = arith.constant 1 : i32
      %add3A_2002 = vector.broadcast %add3A_2001 : i32 to vector<16xi32>
      %add3A_2003 = arith.addi %add3A_2000, %add3A_2002 : vector<16xi32>
      %min3A_2004 = arith.constant 4095 : i32
      %min3A_2005 = vector.broadcast %min3A_2004 : i32 to vector<16xi32>
      %min3A_2006 = arith.minsi %add3A_2003, %min3A_2005 : vector<16xi32>
      %gather3A_2007 = tpu.vector_load_idx %arg4[%min3A_2006] : memref<4096xi32, #tpu.memory_space<vmem>>[vector<16xi32>], vector<16xi32>,
      %add3A_2008 = arith.constant 1 : i32
      %add3A_2009 = vector.broadcast %add3A_2008 : i32 to vector<16xi32>
      %add3A_2010 = arith.addi %add3A_2000, %add3A_2009 : vector<16xi32>
      %gt3A_2011 = arith.constant 4095 : i32
      %gt3A_2012 = vector.broadcast %gt3A_2011 : i32 to vector<16xi32>
      %gt3A_2013 = arith.cmpi sgt, %add3A_2010, %gt3A_2012 : vector<16xi32>
      %jit3A_2014 = arith.constant 1 : i32
      %jit3A_2015 = arith.constant 0 : i32
      %broadcast_in_dim3A_2016 = vector.broadcast %jit3A_2014 : i32 to vector<16xi32>
      %broadcast_in_dim3A_2017 = vector.broadcast %jit3A_2015 : i32 to vector<16xi32>
      %select_n3A_2018 = arith.select %gt3A_2013, %broadcast_in_dim3A_2016, %broadcast_in_dim3A_2017 : vector<16xi1>, vector<16xi32>
      %add3A_2019 = arith.addi %gather3A_2007, %select_n3A_2018 : vector<16xi32>
      %gt3A_2020 = arith.constant 255 : i32
      %gt3A_2021 = vector.broadcast %gt3A_2020 : i32 to vector<16xi32>
      %gt3A_2022 = arith.cmpi sgt, %add3A_2019, %gt3A_2021 : vector<16xi32>
      %jit3A_2023 = arith.constant 0 : i32
      %broadcast_in_dim3A_2024 = vector.broadcast %jit3A_2023 : i32 to vector<16xi32>
      %select_n3A_2025 = arith.select %gt3A_2022, %broadcast_in_dim3A_2024, %add3A_2019 : vector<16xi1>, vector<16xi32>
      %add3A_2026 = arith.constant 48 : i32
      %add3A_2027 = vector.broadcast %add3A_2026 : i32 to vector<16xi32>
      %add3A_2028 = arith.addi %add3A_2027, %iota3A_1994 : vector<16xi32>
      %mul3A_2029 = arith.constant 256 : i32
      %mul3A_2030 = vector.broadcast %mul3A_2029 : i32 to vector<16xi32>
      %mul3A_2031 = arith.muli %add3A_2028, %mul3A_2030 : vector<16xi32>
      %add3A_2032 = arith.addi %mul3A_2031, %select_n3A_2025 : vector<16xi32>
      tpu.vector_store_idx %arg8[%add3A_2032], %broadcast_in_dim3A_1 : memref<16384xf32, #tpu.memory_space<vmem>>[vector<16xi32>], vector<16xf32>,
      %mul3A_2033 = arith.constant 16384 : i32
      %mul3A_2034 = arith.muli %add3A_1705, %mul3A_2033 : i32
      %add3A_2035 = arith.addi %mul3A_13, %mul3A_2034 : i32
      %dma_start3A_2036 = tpu.memref_slice %arg3[%add3A_2035] : memref<33554432xf32, #tpu.memory_space<hbm>> -> memref<16384xf32, #tpu.memory_space<hbm>>
      %dma_start3A_2037 = tpu.memref_slice %arg3[%add3A_2035] : memref<33554432xf32, #tpu.memory_space<hbm>> -> memref<16384xf32, #tpu.memory_space<hbm>>
      tpu.enqueue_dma source(%arg8 : memref<16384xf32, #tpu.memory_space<vmem>>) target(%dma_start3A_2037 : memref<16384xf32, #tpu.memory_space<hbm>>) target_semaphore(%arg12 : memref<!tpu.dma_semaphore, #tpu.memory_space<semaphore_mem>>)
      %scan3A_2038 = arith.constant 0 : i32
      scf.yield %scan3A_2038 : i32
    }
    %scan3A_677 = arith.constant 15 : i32
    %add3A_678 = arith.constant 983040 : i32
    %add3A_679 = arith.addi %mul3A_13, %add3A_678 : i32
    %dma_wait3A = tpu.memref_slice %arg3[%add3A_679] : memref<33554432xf32, #tpu.memory_space<hbm>> -> memref<16384xf32, #tpu.memory_space<hbm>>
    %dma_wait3A_680 = tpu.memref_slice %arg3[%add3A_679] : memref<33554432xf32, #tpu.memory_space<hbm>> -> memref<16384xf32, #tpu.memory_space<hbm>>
    tpu.wait_dma2 semaphore(%arg9 : memref<!tpu.dma_semaphore, #tpu.memory_space<semaphore_mem>>) src(%arg5 : memref<16384xf32, #tpu.memory_space<vmem>>) dst(%dma_wait3A_680 : memref<16384xf32, #tpu.memory_space<hbm>>)
    %add3A_681 = arith.constant 999424 : i32
    %add3A_682 = arith.addi %mul3A_13, %add3A_681 : i32
    %dma_wait3A_683 = tpu.memref_slice %arg3[%add3A_682] : memref<33554432xf32, #tpu.memory_space<hbm>> -> memref<16384xf32, #tpu.memory_space<hbm>>
    %dma_wait3A_684 = tpu.memref_slice %arg3[%add3A_682] : memref<33554432xf32, #tpu.memory_space<hbm>> -> memref<16384xf32, #tpu.memory_space<hbm>>
    tpu.wait_dma2 semaphore(%arg10 : memref<!tpu.dma_semaphore, #tpu.memory_space<semaphore_mem>>) src(%arg6 : memref<16384xf32, #tpu.memory_space<vmem>>) dst(%dma_wait3A_684 : memref<16384xf32, #tpu.memory_space<hbm>>)
    %add3A_685 = arith.constant 1015808 : i32
    %add3A_686 = arith.addi %mul3A_13, %add3A_685 : i32
    %dma_wait3A_687 = tpu.memref_slice %arg3[%add3A_686] : memref<33554432xf32, #tpu.memory_space<hbm>> -> memref<16384xf32, #tpu.memory_space<hbm>>
    %dma_wait3A_688 = tpu.memref_slice %arg3[%add3A_686] : memref<33554432xf32, #tpu.memory_space<hbm>> -> memref<16384xf32, #tpu.memory_space<hbm>>
    tpu.wait_dma2 semaphore(%arg11 : memref<!tpu.dma_semaphore, #tpu.memory_space<semaphore_mem>>) src(%arg7 : memref<16384xf32, #tpu.memory_space<vmem>>) dst(%dma_wait3A_688 : memref<16384xf32, #tpu.memory_space<hbm>>)
    %add3A_689 = arith.constant 1032192 : i32
    %add3A_690 = arith.addi %mul3A_13, %add3A_689 : i32
    %dma_wait3A_691 = tpu.memref_slice %arg3[%add3A_690] : memref<33554432xf32, #tpu.memory_space<hbm>> -> memref<16384xf32, #tpu.memory_space<hbm>>
    %dma_wait3A_692 = tpu.memref_slice %arg3[%add3A_690] : memref<33554432xf32, #tpu.memory_space<hbm>> -> memref<16384xf32, #tpu.memory_space<hbm>>
    tpu.wait_dma2 semaphore(%arg12 : memref<!tpu.dma_semaphore, #tpu.memory_space<semaphore_mem>>) src(%arg8 : memref<16384xf32, #tpu.memory_space<vmem>>) dst(%dma_wait3A_692 : memref<16384xf32, #tpu.memory_space<hbm>>)
    return
  }
}

</mosaic_0001>

<sc_bundles>
// kernel: kernel.3.cloned.1.call-start
scs
__scs_entry_jumppad:
0x0: {  	(pc) =	sbr.rel $0x88, $3  }
0x1: {  	(tag) =	ssettag $0x0;
	lr =	simm.s32 $0x1  }
0x2: {  	[smem:$0x3FA0] =	sst lr;
	_ =	strace $0xD0000000  }
0x3: {  	_ = 	snop  }
0x4: {  	_ = 	snop  }
0x5: {  	_ = 	snop  }
0x6: {  	_ = 	snop  }
0x7: {  	_ = 	snop  }
__scs_overlays_trampoline_lowered:
0x8: {  	[smem:$0x3FAF] =	sst s0  }
0x9: {  	[smem:$0x3FB0] =	sst s1  }
0xa: {  	[smem:$0x3FB1] =	sst s2  }
0xb: {  	[smem:$0x3FB2] =	sst s3  }
0xc: {  	[smem:$0x3FB3] =	sst s4  }
0xd: {  	[smem:$0x3FB4] =	sst s5  }
0xe: {  	[smem:$0x3FB5] =	sst s6  }
0xf: {  	[smem:$0x3FB6] =	sst s7  }
0x10: {  	[smem:$0x3FB7] =	sst s8  }
0x11: {  	[smem:$0x3FB8] =	sst s9;
	s0 =	simm.s32 @!p0 $0x0  }
0x12: {  	s1 =	sld [smem:$0x3F9E];
	s0 =	simm.s32 @p0 $0x1  }
0x13: {  	[smem:$0x3FB9] =	sst s0;
	s0 =	simm.s32 @!p1 $0x0  }
0x14: {  	s2 =	sld [smem:$0x3F9D];
	s0 =	simm.s32 @p1 $0x1  }
0x15: {  	[smem:$0x3FBA] =	sst s0;
	s0 =	simm.s32 @!p2 $0x0  }
0x16: {  	s3 =	sld [smem:$0x3FDB];
	s0 =	simm.s32 @p2 $0x1  }
0x17: {  	s4 =	simm.s32 $0x1BF5;
	[smem:$0x3FBC] =	sst s0  }
0x18: {  	s0 =	sld [smem:$0x3F9F];
	_ =	swait.ge [sflag:s4], $0x0  }
0x19: {  	s7 =	sld [smem:$0x3FA0]  }
0x1a: {  	s8 =	sadd.s32 $0xFFFFE003, lr  }
0x1b: {  	s9 =	sadd.s32 $0xFFFFFEF7, lr;
	s5 =	simm.s32 $0xFFFFFFFF;
	p2 =	slt.u32 s8, $0xFFFFF086  }
0x1c: {  	p1 =	slt.u32 s9, $0xF7A;
	s5 =	simm.s32 @!p2 $0x0  }
0x1d: {  	s5 =	simm.s32 @p1 $0x1;
	p0 =	seq.s32 s7, s2  }
0x1e: {  	s7 =	smul.u32 @!p0 $0xF7A, s2;
	p2 =	seq.s32 @!p0 s5, $0x0  }
0x1f: {  	s9 =	smul.u32 $0xF7A, s1;
	s8 =	simm.s32 @!p0 $0x1BF5;
	p2 =	por !p2, p0  }
0x20: {  	[sflag:s8] =	ssyncset.s32 @!p0 $0xFFFFF086;
	s6 =	sadd.s32 @!p0 s3, s7;
	s7 =	simm.s32 @!p0 $0x108  }
0x21: {  	s3 =	sadd.s32 s3, s9;
	s6 =	sadd.s32 @!p0 $0x88, s6;
	s7 =	simm.s32 @p2 $0x1082  }
0x22: {  	[simem:s7], [sflag:s8] =	dma.local @!p0 [hbm:s6], $0xF7A  }
0x23: {  	s9 =	sor.u32 $0xD0000000, s2;
	s6 =	simm.s32 $0x108;
	_ =	swait.ge @!p0 [sflag:s8], $0x0  }
0x24: {  	s3 =	sadd.s32 $0x88, s3;
	s6 =	simm.s32 @!p1 $0x1082;
	[sflag:s4] =	ssyncset.s32 $0xFFFFF086  }
0x25: {  	[simem:s6], [sflag:s4] =	dma.local [hbm:s3], $0xF7A  }
0x26: {  	[smem:$0x3FA0] =	sst s1;
	(tag) =	ssettag s2;
	_ =	strace s9  }
0x27: {  	s1 =	sld [smem:$0x3FB0]  }
0x28: {  	s2 =	sld [smem:$0x3FB1]  }
0x29: {  	s4 =	sld [smem:$0x3FB3]  }
0x2a: {  	p0 =	seq.s32 s5, $0x0;
	s5 =	sld [smem:$0x3FB4]  }
0x2b: {  	s6 =	sld [smem:$0x3FB5]  }
0x2c: {  	s7 =	sld [smem:$0x3FB6]  }
0x2d: {  	s3 =	simm.s32 $0x108;
	s8 =	sld [smem:$0x3FB7]  }
0x2e: {  	s3 =	simm.s32 @!p0 $0x1082;
	s9 =	sld [smem:$0x3FB8]  }
0x2f: {  	lr =	sadd.s32 s0, s3;
	s0 =	sld [smem:$0x3FAF]  }
0x30: {  	s3 =	sld [smem:$0x3FB2]  }
0x31: {  	[smem:$0x3FBB] =	sst s10  }
0x32: {  	s10 =	sld [smem:$0x3FB9];
	_ =	sdelay $0x3  }
0x33: {  	p0 =	seq.s32 s10, $0x1;
	s10 =	sld [smem:$0x3FBB];
	_ =	sdelay $0x3  }
0x34: {  	[smem:$0x3FBB] =	sst s10  }
0x35: {  	s10 =	sld [smem:$0x3FBA];
	_ =	sdelay $0x3  }
0x36: {  	p1 =	seq.s32 s10, $0x1;
	s10 =	sld [smem:$0x3FBB];
	_ =	sdelay $0x3  }
0x37: {  	[smem:$0x3FBB] =	sst s10  }
0x38: {  	s10 =	sld [smem:$0x3FBC]  }
0x39: {  	_ = 	snop;
	(pc) =	sbr.ind lr, $3  }
0x3a: {  	_ = 	snop  }
0x3b: {  	_ = 	snop  }
0x3c: {  	p2 =	seq.s32 s10, $0x1;
	s10 =	sld [smem:$0x3FBB]  }
0x3d: {  	_ =	shalt  }
0x3e: {  	_ =	shalt  }
0x3f: {  	_ =	shalt  }
0x40: {  	_ =	shalt  }
0x41: {  	_ =	shalt  }
0x42: {  	_ =	shalt  }
0x43: {  	_ =	shalt  }
0x44: {  	_ =	shalt  }
0x45: {  	_ =	shalt  }
0x46: {  	_ =	shalt  }
0x47: {  	_ =	shalt  }
0x48: {  	_ =	shalt  }
0x49: {  	_ =	shalt  }
0x4a: {  	_ =	shalt  }
0x4b: {  	_ =	shalt  }
0x4c: {  	_ =	shalt  }
0x4d: {  	_ =	shalt  }
0x4e: {  	_ =	shalt  }
0x4f: {  	_ =	shalt  }
0x50: {  	_ =	shalt  }
0x51: {  	_ =	shalt  }
0x52: {  	_ =	shalt  }
0x53: {  	_ =	shalt  }
0x54: {  	_ =	shalt  }
0x55: {  	_ =	shalt  }
0x56: {  	_ =	shalt  }
0x57: {  	_ =	shalt  }
0x58: {  	_ =	shalt  }
0x59: {  	_ =	shalt  }
0x5a: {  	_ =	shalt  }
0x5b: {  	_ =	shalt  }
0x5c: {  	_ =	shalt  }
0x5d: {  	_ =	shalt  }
0x5e: {  	_ =	shalt  }
0x5f: {  	_ =	shalt  }
0x60: {  	_ =	shalt  }
0x61: {  	_ =	shalt  }
0x62: {  	_ =	shalt  }
0x63: {  	_ =	shalt  }
0x64: {  	_ =	shalt  }
0x65: {  	_ =	shalt  }
0x66: {  	_ =	shalt  }
0x67: {  	_ =	shalt  }
0x68: {  	_ =	shalt  }
0x69: {  	_ =	shalt  }
0x6a: {  	_ =	shalt  }
0x6b: {  	_ =	shalt  }
0x6c: {  	_ =	shalt  }
0x6d: {  	_ =	shalt  }
0x6e: {  	_ =	shalt  }
0x6f: {  	_ =	shalt  }
0x70: {  	_ =	shalt  }
0x71: {  	_ =	shalt  }
0x72: {  	_ =	shalt  }
0x73: {  	_ =	shalt  }
0x74: {  	_ =	shalt  }
0x75: {  	_ =	shalt  }
0x76: {  	_ =	shalt  }
0x77: {  	_ =	shalt  }
0x78: {  	_ =	shalt  }
0x79: {  	_ =	shalt  }
0x7a: {  	_ =	shalt  }
0x7b: {  	_ =	shalt  }
0x7c: {  	_ =	shalt  }
0x7d: {  	_ =	shalt  }
0x7e: {  	_ =	shalt  }
0x7f: {  	_ =	shalt  }
0x80: {  	_ =	shalt  }
0x81: {  	_ =	shalt  }
0x82: {  	_ =	shalt  }
0x83: {  	_ =	shalt  }
0x84: {  	_ =	shalt  }
0x85: {  	_ =	shalt  }
0x86: {  	_ =	shalt  }
0x87: {  	_ =	shalt  }
.Lfunc_end0:
.L_simem_size_0:
called_computation_lowered:
.L_overlay_start_0:
0x88: {  	s2 =	sld [smem:$0x3FD9]  }
0x89: {  	s3 =	sld [smem:$0x3FFE];
	_ =	sdelay $0x1  }
0x8a: {  	s1 =	srdreg.scid  }
0x8b: {  	s0 =	sand.u32 $0x1, s1  }
0x8c: {  	s17 =	sshll.u32 s0, $0xA;
	s2 =	sadd.s32 s3, s2  }
0x8d: {  	s2 =	sadd.s32 s2, s17  }
0x8e: {  	[smem:$0x3FC7] =	sst s2  }
0x8f: {  	_ = 	snop  }
0x90: {  	s2 =	sld [smem:$0x3FD0];
	(tm) =	ssettm $0x1  }
0x91: {  	s18 =	sld [smem:$0x3FFB];
	_ =	sdelay $0x3  }
0x92: {  	_ =	strace s18  }
0x93: {  	s3 =	sld [smem:$0x3FFC];
	_ =	sdelay $0x3  }
0x94: {  	_ =	strace s3  }
0x95: {  	s3 =	sld [smem:$0x3FFD];
	_ =	sdelay $0x3  }
0x96: {  	_ =	strace s3  }
0x97: {  	_ =	strace $0x8FFFFFFF  }
0x98: {  	s19 =	sld [smem:$0x3FDB];
	_ =	sdelay $0x1  }
0x99: {  	s4 =	simm.s32 $_scs_section_size  }
0x9a: {  	s5 =	simm.s32 $_size__tile_overlayer_lowered;
	s6 =	simm.s32 $_tile_overlayer_lowered  }
0x9b: {  	s22 =	simm.s32 $0x1BFF;
	s21 =	sshll.u32 s6, $0x1;
	s3 =	sadd.s32 s4, s19  }
0x9c: {  	s7 =	simm.s32 $0x0;
	s20 =	sshll.u32 s5, $0x1;
	s5 =	sadd.s32 s21, s3  }
0x9d: {  	[timem:s7], [sflag:s22] =	dma.local [hbm:s5], s20  }
0x9e: {  	_ =	swait.ge [sflag:s22], s20  }
0x9f: {  	s4 =	ssub.s32 $0x0, s20;
	[sflag:s22] =	ssyncset.done $0x0  }
0xa0: {  	[sflag:s22] =	ssyncadd.s32 s4;
	_ =	sdelay $0x1  }
0xa1: {  	s23 =	simm.s32 $0x1B8B  }
0xa2: {  	_ =	swait.ge [sflag:s23], $0x1  }
0xa3: {  	[sflag:s23] =	ssyncset.done $0x0  }
0xa4: {  	s25 =	simm.s32 $0x1B8E;
	s24 =	sld [smem:$0x3FFE];
	[sflag:s23] =	ssyncadd.s32 $0xFFFFFFFF  }
0xa5: {  	s26 =	simm.s32 $execute0_lowered;
	[smem:$0x3FD2] =	sst s25  }
0xa6: {  	s5 =	sshll.u32 s26, $0x1;
	_ =	strace $0x80000046;
	[dreg:$0x1] =	wrdreg $0xFFFFFFFF  }
0xa7: {  	s28 =	simm.s32 $_size_execute0_lowered;
	s3 =	sadd.s32 s3, s5;
	[dreg:$0x0] =	wrdreg $0x0  }
0xa8: {  	s5 =	sshll.u32 s28, $0x1;
	[dreg:$0x2] =	wrdreg s3  }
0xa9: {  	[dreg:$0x3] =	wrdreg s5  }
0xaa: {  	[dreg:$0x4] =	wrdreg $0xC0  }
0xab: {  	_ =	task [dreg:s7], $0x5FFFF  }
0xac: {  	[dreg:$0x1] =	wrdreg $0xFFFFFFFF  }
0xad: {  	[dreg:$0x0] =	wrdreg $0x60  }
0xae: {  	[dreg:$0x2] =	wrdreg s2  }
0xaf: {  	[dreg:$0x3] =	wrdreg s24  }
0xb0: {  	[dreg:$0x4] =	wrdreg $0x9  }
0xb1: {  	_ =	task.clear_ibuf [dreg:s7], $0x5FFFF;
	_ =	strace $0x90000046  }
0xb2: {  	s29 =	simm.s32 $0x9;
	_ =	strace $0x80000048  }
0xb3: {  	_ =	swait.ge [sflag:s29], $0x1  }
0xb4: {  	[sflag:s29] =	ssyncadd.s32 $0xFFFFFFFF  }
0xb5: {  	_ =	strace $0x90000048  }
0xb6: {  	_ =	sfence  }
0xb7: {  	s30 =	sld [smem:$0x0];
	_ =	sdelay $0x2  }
0xb8: {  	s31 =	sshll.u32 s1, $0xD;
	s1 =	sshrl.u32 s1, $0x2  }
0xb9: {  	s3 =	sand.u32 $0x4000, s31;
	s1 =	sadd.s32 s1, s30  }
0xba: {  	s0 =	sor.u32 s3, s0;
	s1 =	sshll.u32 s1, $0x11  }
0xbb: {  	s0 =	sor.u32 s1, s0  }
0xbc: {  	s0 =	sadd.s32 $0x8F2B, s0  }
0xbd: {  	[sflag:s0] =	ssyncadd.remote.s32 $0x1  }
0xbe: {  	_ =	sfence.sel $0xFFFF  }
0xbf: {  	[dreg:$0x0] =	wrdreg $0xFFFFFFFF;
	(pc) =	sbr.abs _section_cstart, $3  }
0xc0: {  	[dreg:$0x1] =	wrdreg $0xFFFFFFFF  }
0xc1: {  	_ =	task.clear_ibuf [dreg:s7], $0x2FFFF;
	_ =	strace $0x9FFFFFFF  }
0xc2: {  	(tm) =	ssettm $0x7FFFFFFF  }
0xc3: {  	_ =	shalt  }
tec
execute0_lowered:
.L_overlay_start_1:
0x0: {  	(tag) =	ssettag $0x1  }
0x1: {  	s4 =	rddreg [dreg:$0x0]  }
0x2: {  	s3 =	rddreg [dreg:$0x1];
	s1 =	srdreg.scid  }
0x3: {  	s0 =	rddreg [dreg:$0x2];
	s2 =	simm.s32 $0x0;
	s15 =	simm.s32 $0x5000  }
0x4: {  	s16 =	simm.s32 $0x9000;
	s17 =	simm.s32 $0xD000;
	s18 =	simm.s32 $0x1  }
0x5: {  	s19 =	simm.s32 $0x2;
	s20 =	simm.s32 $0x3;
	s21 =	simm.s32 $0x4  }
0x6: {  	s22 =	simm.s32 $0x0;
	s5 =	sand.u32 $0x1, s1;
	[smem:$0x7FF] =	sst s2  }
0x7: {  	s1 =	stileid.u32;
	s12 =	sadd.s32 $0x400, s3;
	s6 =	ssub.s32 $0x2, s5  }
0x8: {  	_ =	strace $0x80000047;
	s8 =	sshll.u32 s1, $0x1;
	s26 =	sshll.u32 s1, $0x15  }
0x9: {  	s7 =	sshrl.u32 s6, $0x1;
	s24 =	sor.u32 s5, s8;
	s5 =	sshll.u32 s5, $0x14  }
0xa: {  	v21 =	vlaneseq.u32;
	v0 =	vimm.f32 $0.0e+00;
	v3 =	vimm.f32 $1.000000000e+00;
	s9 =	ssub.s32 s6, s7;
	s25 =	sshll.u32 s24, $0x11;
	s8 =	sshll.u32 s24, $0x9  }
0xb: {  	v22 =	vimm.s32 $0x0;
	v1 =	vmul.u32 $0x100, v21;
	v2 =	vadd.s32 $0x1, v21;
	s10 =	sor.u32 s5, s26;
	s3 =	sadd.s32 s12, s25;
	s4 =	sadd.s32 s4, s8  }
0xc: {  	v4 =	vadd.s32 $0x11, v21;
	v6 =	vadd.s32 $0x21, v21;
	v8 =	vadd.s32 $0x31, v21;
	s28 =	sor.u32 $0x10000, s10;
	s8 =	smax.u32 s9, $0x1;
	s29 =	sor.u32 $0x1C000, s10  }
0xd: {  	v10 =	vadd.s32 $0x41, v21;
	v11 =	vadd.s32 $0x51, v21;
	v12 =	vadd.s32 $0x61, v21;
	s13 =	sor.u32 $0x18000, s10;
	s14 =	sor.u32 $0x14000, s10;
	s5 =	sadd.s32 $0x800, s3  }
0xe: {  	v13 =	vadd.s32 $0x71, v21;
	v14 =	vadd.s32 $0x81, v21;
	v15 =	vadd.s32 $0x91, v21;
	s6 =	sadd.s32 $0x1000, s3;
	s7 =	sadd.s32 $0x1800, s3;
	s11 =	sshrl.u32 s28, $0x3  }
0xf: {  	v16 =	vadd.s32 $0xA1, v21;
	v17 =	vadd.s32 $0xB1, v21;
	v18 =	vadd.s32 $0xC1, v21;
	s30 =	sshrl.u32 s13, $0x3;
	s31 =	sshrl.u32 s14, $0x3;
	s13 =	simm.s32 $0x5  }
0x10: {  	v19 =	vadd.s32 $0xD1, v21;
	v20 =	vadd.s32 $0xE1, v21;
	v21 =	vadd.s32 $0xF1, v21;
	s14 =	simm.s32 $0x1000;
	s9 =	sadd.s32 s11, s12;
	s11 =	sshrl.u32 s29, $0x3  }
0x11: {  	v5 =	vor.u32 $0x1000, v1;
	v7 =	vor.u32 $0x2000, v1;
	v9 =	vor.u32 $0x3000, v1;
	s10 =	sadd.s32 s11, s12;
	s11 =	sadd.s32 s30, s12;
	s12 =	sadd.s32 s31, s12  }
.LBB2_1:
0x12: {  	[tilespmem:s2], [sflag:$0x5] =	stream.linear.gather [hbm4b:s4+s2], $0x1000, $0x38;
	[tilespmem:$0x11000] =	vst v63  }
0x13: {  	_ =	swait.ge [sflag:s13], $0x1000  }
0x14: {  	[sflag:s13] =	ssyncset.done $0x0  }
0x15: {  	s24 =	simm.s32 $0x40;
	s23 =	simm.s32 $0x0;
	[sflag:s13] =	ssyncadd.s32 $0xFFFFF000  }
.LBB2_2:
0x16: {  	p0 =	sne.s32 s24, $0xFFC0;
	[tilespmem:s23+$0xD000] =	vst v0;
	s25 =	smov.u32 s24;
	s24 =	sadd.s32 $0x40, s24  }
.Ltmp0:
0x17: {  	[tilespmem:s23+$0x9000] =	vst v0;
	(pc) =	sbr.rel @p0 .LBB2_2-.Ltmp0, $3  }
0x18: {  	[tilespmem:s23+$0x1000] =	vst v0  }
0x19: {  	[tilespmem:s23+$0x5000] =	vst v0;
	_ =	sdelay $0x1  }
0x1a: {  	s23 =	sshra.s32 s25, $0x2  }
0x1b: {  	[tilespmem:s23+$0xD000] =	vst v0  }
0x1c: {  	[tilespmem:s23+$0x9000] =	vst v0  }
0x1d: {  	[tilespmem:s23+$0x1000] =	vst v0  }
0x1e: {  	[tilespmem:s23+$0x5000] =	vst v0;
	s23 =	simm.s32 $0x0  }
0x1f: {  	v23 =	vld.idx.msk [tilespmem:v2+s23+$0x0], $0xffff;
	_ =	sdelay $0x4  }
0x20: {  	vm0 =	vgt.s32 v23, $0xFF;
	v23 =	vadd.s32 v1, v23  }
0x21: {  	v23 =	vsel vm0, v1, v23;
	_ =	sdelay $0x4  }
0x22: {  	[tilespmem:v23+s14+$0x0] =	vst.idx.msk $0xffff, v3  }
0x23: {  	v23 =	vld.idx.msk [tilespmem:v4+s23+$0x0], $0xffff;
	_ =	sdelay $0x4  }
0x24: {  	vm13 =	vgt.s32 v23, $0xFF;
	v23 =	vadd.s32 v5, v23  }
0x25: {  	v23 =	vsel vm13, v5, v23;
	_ =	sdelay $0x4  }
0x26: {  	[tilespmem:v23+s14+$0x0] =	vst.idx.msk $0xffff, v3  }
0x27: {  	v23 =	vld.idx.msk [tilespmem:v6+s23+$0x0], $0xffff;
	_ =	sdelay $0x4  }
0x28: {  	vm14 =	vgt.s32 v23, $0xFF;
	v23 =	vadd.s32 v7, v23  }
0x29: {  	v23 =	vsel vm14, v7, v23;
	_ =	sdelay $0x4  }
0x2a: {  	[tilespmem:v23+s14+$0x0] =	vst.idx.msk $0xffff, v3  }
0x2b: {  	v23 =	vld.idx.msk [tilespmem:v8+s23+$0x0], $0xffff;
	_ =	sdelay $0x4  }
0x2c: {  	vm15 =	vgt.s32 v23, $0xFF;
	v23 =	vadd.s32 v9, v23  }
0x2d: {  	v23 =	vsel vm15, v9, v23;
	_ =	sdelay $0x4  }
0x2e: {  	[tilespmem:v23+s14+$0x0] =	vst.idx.msk $0xffff, v3  }
0x2f: {  	[hbm4b:s3+s23] =	stream.linear.scatter [tilespmem:s14], [sflag:$0x1], $0x4000, $0x38;
	[tilespmem:$0x11000] =	vst v63  }
0x30: {  	v23 =	vld.idx.msk [tilespmem:v10+s23+$0x0], $0xffff;
	_ =	sdelay $0x4  }
0x31: {  	vm4 =	vgt.s32 v23, $0xFF;
	v23 =	vadd.s32 v1, v23  }
0x32: {  	v23 =	vsel vm4, v1, v23;
	_ =	sdelay $0x4  }
0x33: {  	[tilespmem:v23+s15+$0x0] =	vst.idx.msk $0xffff, v3  }
0x34: {  	v23 =	vld.idx.msk [tilespmem:v11+s23+$0x0], $0xffff;
	_ =	sdelay $0x4  }
0x35: {  	vm5 =	vgt.s32 v23, $0xFF;
	v23 =	vadd.s32 v5, v23  }
0x36: {  	v23 =	vsel vm5, v5, v23;
	_ =	sdelay $0x4  }
0x37: {  	[tilespmem:v23+s15+$0x0] =	vst.idx.msk $0xffff, v3  }
0x38: {  	v23 =	vld.idx.msk [tilespmem:v12+s23+$0x0], $0xffff;
	_ =	sdelay $0x4  }
0x39: {  	vm6 =	vgt.s32 v23, $0xFF;
	v23 =	vadd.s32 v7, v23  }
0x3a: {  	v23 =	vsel vm6, v7, v23;
	_ =	sdelay $0x4  }
0x3b: {  	[tilespmem:v23+s15+$0x0] =	vst.idx.msk $0xffff, v3  }
0x3c: {  	v23 =	vld.idx.msk [tilespmem:v13+s23+$0x0], $0xffff;
	_ =	sdelay $0x4  }
0x3d: {  	vm7 =	vgt.s32 v23, $0xFF;
	v23 =	vadd.s32 v9, v23  }
0x3e: {  	v23 =	vsel vm7, v9, v23;
	_ =	sdelay $0x4  }
0x3f: {  	[tilespmem:v23+s15+$0x0] =	vst.idx.msk $0xffff, v3  }
0x40: {  	[hbm4b:s5+s23] =	stream.linear.scatter [tilespmem:s15], [sflag:$0x2], $0x4000, $0x38;
	[tilespmem:$0x11000] =	vst v63  }
0x41: {  	v23 =	vld.idx.msk [tilespmem:v14+s23+$0x0], $0xffff;
	_ =	sdelay $0x4  }
0x42: {  	vm8 =	vgt.s32 v23, $0xFF;
	v23 =	vadd.s32 v1, v23  }
0x43: {  	v23 =	vsel vm8, v1, v23;
	_ =	sdelay $0x4  }
0x44: {  	[tilespmem:v23+s16+$0x0] =	vst.idx.msk $0xffff, v3  }
0x45: {  	v23 =	vld.idx.msk [tilespmem:v15+s23+$0x0], $0xffff;
	_ =	sdelay $0x4  }
0x46: {  	vm9 =	vgt.s32 v23, $0xFF;
	v23 =	vadd.s32 v5, v23  }
0x47: {  	v23 =	vsel vm9, v5, v23;
	_ =	sdelay $0x4  }
0x48: {  	[tilespmem:v23+s16+$0x0] =	vst.idx.msk $0xffff, v3  }
0x49: {  	v23 =	vld.idx.msk [tilespmem:v16+s23+$0x0], $0xffff;
	_ =	sdelay $0x4  }
0x4a: {  	vm10 =	vgt.s32 v23, $0xFF;
	v23 =	vadd.s32 v7, v23  }
0x4b: {  	v23 =	vsel vm10, v7, v23;
	_ =	sdelay $0x4  }
0x4c: {  	[tilespmem:v23+s16+$0x0] =	vst.idx.msk $0xffff, v3  }
0x4d: {  	v23 =	vld.idx.msk [tilespmem:v17+s23+$0x0], $0xffff;
	_ =	sdelay $0x4  }
0x4e: {  	vm11 =	vgt.s32 v23, $0xFF;
	v23 =	vadd.s32 v9, v23  }
0x4f: {  	v23 =	vsel vm11, v9, v23;
	_ =	sdelay $0x4  }
0x50: {  	[tilespmem:v23+s16+$0x0] =	vst.idx.msk $0xffff, v3  }
0x51: {  	[hbm4b:s6+s23] =	stream.linear.scatter [tilespmem:s16], [sflag:$0x3], $0x4000, $0x38;
	[tilespmem:$0x11000] =	vst v63  }
0x52: {  	v23 =	vld.idx.msk [tilespmem:v18+s23+$0x0], $0xffff;
	_ =	sdelay $0x4  }
0x53: {  	vm12 =	vgt.s32 v23, $0xFF;
	v23 =	vadd.s32 v1, v23  }
0x54: {  	v23 =	vsel vm12, v1, v23;
	_ =	sdelay $0x4  }
0x55: {  	[tilespmem:v23+s17+$0x0] =	vst.idx.msk $0xffff, v3  }
0x56: {  	v23 =	vld.idx.msk [tilespmem:v19+s23+$0x0], $0xffff;
	_ =	sdelay $0x4  }
0x57: {  	vm13 =	vgt.s32 v23, $0xFF;
	v23 =	vadd.s32 v5, v23  }
0x58: {  	v23 =	vsel vm13, v5, v23;
	_ =	sdelay $0x4  }
0x59: {  	[tilespmem:v23+s17+$0x0] =	vst.idx.msk $0xffff, v3  }
0x5a: {  	v23 =	vld.idx.msk [tilespmem:v20+s23+$0x0], $0xffff;
	_ =	sdelay $0x4  }
0x5b: {  	vm14 =	vgt.s32 v23, $0xFF;
	v23 =	vadd.s32 v7, v23  }
0x5c: {  	v23 =	vsel vm14, v7, v23;
	_ =	sdelay $0x4  }
0x5d: {  	[tilespmem:v23+s17+$0x0] =	vst.idx.msk $0xffff, v3  }
0x5e: {  	v23 =	vld.idx.msk [tilespmem:v21+s23+$0x0], $0xffff;
	_ =	sdelay $0x4  }
0x5f: {  	vm15 =	vgt.s32 v23, $0xFF;
	v23 =	vadd.s32 v9, v23  }
0x60: {  	v23 =	vsel vm15, v9, v23;
	_ =	sdelay $0x3  }
0x61: {  	s24 =	smov.u32 s12  }
0x62: {  	s25 =	smov.u32 s11;
	s26 =	smov.u32 s10;
	s28 =	smov.u32 s9;
	[tilespmem:v23+s17+$0x0] =	vst.idx.msk $0xffff, v3  }
0x63: {  	[hbm4b:s7+s23] =	stream.linear.scatter [tilespmem:s17], [sflag:$0x4], $0x4000, $0x38;
	[tilespmem:$0x11000] =	vst v63  }
.LBB2_4:
0x64: {  	v23 =	vor.u32 s23, v2  }
0x65: {  	vm0 =	vgt.s32 v23, $0xFFF  }
0x66: {  	v23 =	vsel vm0, $0xFFF, v23;
	_ =	sdelay $0x1  }
0x67: {  	_ =	swait.ge [sflag:s18], $0x4000  }
0x68: {  	[sflag:s18] =	ssyncset.done $0x0  }
0x69: {  	[sflag:s18] =	ssyncadd.s32 $0xFFFFC000  }
0x6a: {  	v23 =	vld.idx.msk [tilespmem:v23+s2+$0x0], $0xffff;
	_ =	sdelay $0x3  }
0x6b: {  	v24 =	vsel vm0, $0x1, v22  }
0x6c: {  	s29 =	sadd.s32 $0x10, s23;
	v23 =	vadd.s32 v24, v23  }
0x6d: {  	v41 =	vadd.s32 s29, v2;
	vm4 =	vgt.s32 v23, $0xFF;
	v23 =	vadd.s32 v1, v23  }
0x6e: {  	vm5 =	vgt.s32 v41, $0xFFF;
	v23 =	vsel vm4, v1, v23  }
0x6f: {  	v24 =	vsel vm5, $0xFFF, v41;
	_ =	sdelay $0x3  }
0x70: {  	[tilespmem:v23+s14+$0x0] =	vst.idx.msk $0xffff, v0  }
0x71: {  	v23 =	vld.idx.msk [tilespmem:v24+s2+$0x0], $0xffff;
	_ =	sdelay $0x3  }
0x72: {  	v42 =	vsel vm5, $0x1, v22  }
0x73: {  	s31 =	sadd.s32 $0x20, s23;
	v23 =	vadd.s32 v42, v23  }
0x74: {  	v43 =	vor.u32 s31, v2;
	vm6 =	vgt.s32 v23, $0xFF;
	v23 =	vadd.s32 v5, v23  }
0x75: {  	vm7 =	vgt.s32 v43, $0xFFF;
	v23 =	vsel vm6, v5, v23  }
0x76: {  	v24 =	vsel vm7, $0xFFF, v43;
	_ =	sdelay $0x3  }
0x77: {  	[tilespmem:v23+s14+$0x0] =	vst.idx.msk $0xffff, v0  }
0x78: {  	v23 =	vld.idx.msk [tilespmem:v24+s2+$0x0], $0xffff;
	_ =	sdelay $0x3  }
0x79: {  	v44 =	vsel vm7, $0x1, v22  }
0x7a: {  	s30 =	sadd.s32 $0x30, s23;
	v23 =	vadd.s32 v44, v23  }
0x7b: {  	v45 =	vadd.s32 s30, v2;
	vm8 =	vgt.s32 v23, $0xFF;
	v23 =	vadd.s32 v7, v23  }
0x7c: {  	vm9 =	vgt.s32 v45, $0xFFF;
	v23 =	vsel vm8, v7, v23  }
0x7d: {  	v24 =	vsel vm9, $0xFFF, v45;
	_ =	sdelay $0x3  }
0x7e: {  	[tilespmem:v23+s14+$0x0] =	vst.idx.msk $0xffff, v0  }
0x7f: {  	v23 =	vld.idx.msk [tilespmem:v24+s2+$0x0], $0xffff;
	_ =	sdelay $0x3  }
0x80: {  	v46 =	vsel vm9, $0x1, v22  }
0x81: {  	v23 =	vadd.s32 v46, v23  }
0x82: {  	vm10 =	vgt.s32 v23, $0xFF;
	v23 =	vadd.s32 v9, v23  }
0x83: {  	s29 =	sadd.s32 $0x100, s23;
	v23 =	vsel vm10, v9, v23  }
0x84: {  	v47 =	vor.u32 s29, v2;
	_ =	sdelay $0x3  }
0x85: {  	[tilespmem:v23+s14+$0x0] =	vst.idx.msk $0xffff, v0  }
0x86: {  	v23 =	vld.idx.msk [tilespmem:v47+s2+$0x0], $0xffff;
	_ =	sdelay $0x1  }
0x87: {  	v48 =	vmov s29  }
0x88: {  	vm11 =	vgt.u32 v48, $0xFFF  }
0x89: {  	v24 =	vsel vm11, $0x1, v22  }
0x8a: {  	v23 =	vadd.s32 v24, v23  }
0x8b: {  	vm12 =	vgt.s32 v23, $0xFF;
	v23 =	vadd.s32 v1, v23  }
0x8c: {  	s30 =	sadd.s32 $0x110, s23;
	v23 =	vsel vm12, v1, v23  }
0x8d: {  	v49 =	vadd.s32 s30, v2;
	_ =	sdelay $0x3  }
0x8e: {  	[tilespmem:v23+s14+$0x0] =	vst.idx.msk $0xffff, v3  }
0x8f: {  	v23 =	vld.idx.msk [tilespmem:v49+s2+$0x0], $0xffff;
	_ =	sdelay $0x2  }
0x90: {  	vm13 =	vgt.u32 v49, $0xFFF  }
0x91: {  	v24 =	vsel vm13, $0x1, v22  }
0x92: {  	v23 =	vadd.s32 v24, v23  }
0x93: {  	vm14 =	vgt.s32 v23, $0xFF;
	v23 =	vadd.s32 v5, v23  }
0x94: {  	s31 =	sadd.s32 $0x120, s23;
	v23 =	vsel vm14, v5, v23  }
0x95: {  	v50 =	vor.u32 s31, v2;
	_ =	sdelay $0x3  }
0x96: {  	[tilespmem:v23+s14+$0x0] =	vst.idx.msk $0xffff, v3  }
0x97: {  	v23 =	vld.idx.msk [tilespmem:v50+s2+$0x0], $0xffff;
	_ =	sdelay $0x1  }
0x98: {  	v51 =	vmov s31  }
0x99: {  	vm15 =	vgt.u32 v51, $0xFFF  }
0x9a: {  	v24 =	vsel vm15, $0x1, v22  }
0x9b: {  	v23 =	vadd.s32 v24, v23  }
0x9c: {  	vm4 =	vgt.s32 v23, $0xFF;
	v23 =	vadd.s32 v7, v23  }
0x9d: {  	s31 =	sadd.s32 $0x130, s23;
	v23 =	vsel vm4, v7, v23  }
0x9e: {  	v52 =	vadd.s32 s31, v2;
	_ =	sdelay $0x3  }
0x9f: {  	[tilespmem:v23+s14+$0x0] =	vst.idx.msk $0xffff, v3  }
0xa0: {  	v23 =	vld.idx.msk [tilespmem:v52+s2+$0x0], $0xffff;
	_ =	sdelay $0x2  }
0xa1: {  	vm5 =	vgt.u32 v52, $0xFFF  }
0xa2: {  	v24 =	vsel vm5, $0x1, v22  }
0xa3: {  	v23 =	vadd.s32 v24, v23  }
0xa4: {  	vm6 =	vgt.s32 v23, $0xFF;
	v23 =	vadd.s32 v9, v23  }
0xa5: {  	v23 =	vsel vm6, v9, v23;
	_ =	sdelay $0x1  }
0xa6: {  	s31 =	sadd.s32 $0x40, s23  }
0xa7: {  	v53 =	vor.u32 s31, v2  }
0xa8: {  	vm7 =	vgt.s32 v53, $0xFFF  }
0xa9: {  	[tilespmem:v23+s14+$0x0] =	vst.idx.msk $0xffff, v3;
	v23 =	vsel vm7, $0xFFF, v53  }
0xaa: {  	[hbm4b:s28+s2] =	stream.linear.scatter [tilespmem:s14], [sflag:$0x1], $0x4000, $0x38;
	[tilespmem:$0x11000] =	vst v63  }
0xab: {  	_ =	swait.ge [sflag:s19], $0x4000  }
0xac: {  	[sflag:s19] =	ssyncset.done $0x0  }
0xad: {  	[sflag:s19] =	ssyncadd.s32 $0xFFFFC000  }
0xae: {  	v23 =	vld.idx.msk [tilespmem:v23+s2+$0x0], $0xffff;
	_ =	sdelay $0x3  }
0xaf: {  	v54 =	vsel vm7, $0x1, v22  }
0xb0: {  	s31 =	sadd.s32 $0x50, s23;
	v23 =	vadd.s32 v54, v23  }
0xb1: {  	v55 =	vadd.s32 s31, v2;
	vm8 =	vgt.s32 v23, $0xFF;
	v23 =	vadd.s32 v1, v23  }
0xb2: {  	vm9 =	vgt.s32 v55, $0xFFF;
	v23 =	vsel vm8, v1, v23  }
0xb3: {  	v24 =	vsel vm9, $0xFFF, v55;
	_ =	sdelay $0x3  }
0xb4: {  	[tilespmem:v23+s15+$0x0] =	vst.idx.msk $0xffff, v0  }
0xb5: {  	v23 =	vld.idx.msk [tilespmem:v24+s2+$0x0], $0xffff;
	_ =	sdelay $0x3  }
0xb6: {  	v56 =	vsel vm9, $0x1, v22  }
0xb7: {  	s31 =	sadd.s32 $0x60, s23;
	v23 =	vadd.s32 v56, v23  }
0xb8: {  	v57 =	vor.u32 s31, v2;
	vm10 =	vgt.s32 v23, $0xFF;
	v23 =	vadd.s32 v5, v23  }
0xb9: {  	vm11 =	vgt.s32 v57, $0xFFF;
	v23 =	vsel vm10, v5, v23  }
0xba: {  	v24 =	vsel vm11, $0xFFF, v57;
	_ =	sdelay $0x3  }
0xbb: {  	[tilespmem:v23+s15+$0x0] =	vst.idx.msk $0xffff, v0  }
0xbc: {  	v23 =	vld.idx.msk [tilespmem:v24+s2+$0x0], $0xffff;
	_ =	sdelay $0x3  }
0xbd: {  	v58 =	vsel vm11, $0x1, v22  }
0xbe: {  	s31 =	sadd.s32 $0x70, s23;
	v23 =	vadd.s32 v58, v23  }
0xbf: {  	v59 =	vadd.s32 s31, v2;
	vm12 =	vgt.s32 v23, $0xFF;
	v23 =	vadd.s32 v7, v23  }
0xc0: {  	vm13 =	vgt.s32 v59, $0xFFF;
	v23 =	vsel vm12, v7, v23  }
0xc1: {  	v24 =	vsel vm13, $0xFFF, v59;
	_ =	sdelay $0x3  }
0xc2: {  	[tilespmem:v23+s15+$0x0] =	vst.idx.msk $0xffff, v0  }
0xc3: {  	v23 =	vld.idx.msk [tilespmem:v24+s2+$0x0], $0xffff;
	_ =	sdelay $0x3  }
0xc4: {  	v60 =	vsel vm13, $0x1, v22  }
0xc5: {  	v23 =	vadd.s32 v60, v23  }
0xc6: {  	vm14 =	vgt.s32 v23, $0xFF;
	v23 =	vadd.s32 v9, v23  }
0xc7: {  	s31 =	sadd.s32 $0x140, s23;
	v23 =	vsel vm14, v9, v23  }
0xc8: {  	v61 =	vor.u32 s31, v2;
	_ =	sdelay $0x3  }
0xc9: {  	[tilespmem:v23+s15+$0x0] =	vst.idx.msk $0xffff, v0  }
0xca: {  	v23 =	vld.idx.msk [tilespmem:v61+s2+$0x0], $0xffff;
	_ =	sdelay $0x1  }
0xcb: {  	v62 =	vmov s31  }
0xcc: {  	vm15 =	vgt.u32 v62, $0xFFF  }
0xcd: {  	v24 =	vsel vm15, $0x1, v22  }
0xce: {  	s31 =	sadd.s32 $0x150, s23;
	v23 =	vadd.s32 v24, v23  }
0xcf: {  	v63 =	vadd.s32 s31, v2;
	vm4 =	vgt.s32 v23, $0xFF;
	v23 =	vadd.s32 v1, v23  }
0xd0: {  	vm5 =	vlt.s32 v63, $0xFFF;
	v23 =	vsel vm4, v1, v23  }
0xd1: {  	v25 =	vnsel vm5, $0xFFF, v63;
	_ =	sdelay $0x3  }
0xd2: {  	[tilespmem:v23+s15+$0x0] =	vst.idx.msk $0xffff, v3  }
0xd3: {  	v23 =	vld.idx.msk [tilespmem:v25+s2+$0x0], $0xffff;
	_ =	sdelay $0x2  }
0xd4: {  	vm6 =	vgt.u32 v63, $0xFFF  }
0xd5: {  	v24 =	vsel vm6, $0x1, v22  }
0xd6: {  	s31 =	sadd.s32 $0x160, s23;
	v23 =	vadd.s32 v24, v23  }
0xd7: {  	v28 =	vor.u32 s31, v2;
	vm7 =	vgt.s32 v23, $0xFF;
	v23 =	vadd.s32 v5, v23  }
0xd8: {  	vm8 =	vlt.s32 v28, $0xFFF;
	v23 =	vsel vm7, v5, v23  }
0xd9: {  	v24 =	vnsel vm8, $0xFFF, v28;
	_ =	sdelay $0x3  }
0xda: {  	[tilespmem:v23+s15+$0x0] =	vst.idx.msk $0xffff, v3  }
0xdb: {  	v23 =	vld.idx.msk [tilespmem:v24+s2+$0x0], $0xffff;
	_ =	sdelay $0x1  }
0xdc: {  	v29 =	vmov s31  }
0xdd: {  	vm9 =	vgt.u32 v29, $0xFFF  }
0xde: {  	v24 =	vsel vm9, $0x1, v22  }
0xdf: {  	s31 =	sadd.s32 $0x170, s23;
	v23 =	vadd.s32 v24, v23  }
0xe0: {  	v30 =	vadd.s32 s31, v2;
	vm10 =	vgt.s32 v23, $0xFF;
	v23 =	vadd.s32 v7, v23  }
0xe1: {  	vm11 =	vlt.s32 v30, $0xFFF;
	v23 =	vsel vm10, v7, v23  }
0xe2: {  	v31 =	vnsel vm11, $0xFFF, v30;
	_ =	sdelay $0x3  }
0xe3: {  	[tilespmem:v23+s15+$0x0] =	vst.idx.msk $0xffff, v3  }
0xe4: {  	v23 =	vld.idx.msk [tilespmem:v31+s2+$0x0], $0xffff;
	_ =	sdelay $0x2  }
0xe5: {  	vm12 =	vgt.u32 v30, $0xFFF  }
0xe6: {  	v24 =	vsel vm12, $0x1, v22  }
0xe7: {  	v23 =	vadd.s32 v24, v23  }
0xe8: {  	vm13 =	vgt.s32 v23, $0xFF;
	v23 =	vadd.s32 v9, v23  }
0xe9: {  	v23 =	vsel vm13, v9, v23;
	_ =	sdelay $0x1  }
0xea: {  	s31 =	sadd.s32 $0x80, s23  }
0xeb: {  	v32 =	vor.u32 s31, v2  }
0xec: {  	vm14 =	vgt.s32 v32, $0xFFF  }
0xed: {  	[tilespmem:v23+s15+$0x0] =	vst.idx.msk $0xffff, v3;
	v23 =	vsel vm14, $0xFFF, v32  }
0xee: {  	[hbm4b:s24+s2] =	stream.linear.scatter [tilespmem:s15], [sflag:$0x2], $0x4000, $0x38;
	[tilespmem:$0x11000] =	vst v63  }
0xef: {  	_ =	swait.ge [sflag:s20], $0x4000  }
0xf0: {  	[sflag:s20] =	ssyncset.done $0x0  }
0xf1: {  	[sflag:s20] =	ssyncadd.s32 $0xFFFFC000  }
0xf2: {  	v23 =	vld.idx.msk [tilespmem:v23+s2+$0x0], $0xffff;
	_ =	sdelay $0x3  }
0xf3: {  	v33 =	vsel vm14, $0x1, v22  }
0xf4: {  	s31 =	sadd.s32 $0x90, s23;
	v23 =	vadd.s32 v33, v23  }
0xf5: {  	v34 =	vadd.s32 s31, v2;
	vm15 =	vgt.s32 v23, $0xFF;
	v23 =	vadd.s32 v1, v23  }
0xf6: {  	vm4 =	vgt.s32 v34, $0xFFF;
	v23 =	vsel vm15, v1, v23  }
0xf7: {  	v24 =	vsel vm4, $0xFFF, v34;
	_ =	sdelay $0x3  }
0xf8: {  	[tilespmem:v23+s16+$0x0] =	vst.idx.msk $0xffff, v0  }
0xf9: {  	v23 =	vld.idx.msk [tilespmem:v24+s2+$0x0], $0xffff;
	_ =	sdelay $0x3  }
0xfa: {  	v35 =	vsel vm4, $0x1, v22  }
0xfb: {  	s31 =	sadd.s32 $0xA0, s23;
	v23 =	vadd.s32 v35, v23  }
0xfc: {  	v36 =	vor.u32 s31, v2;
	vm5 =	vgt.s32 v23, $0xFF;
	v23 =	vadd.s32 v5, v23  }
0xfd: {  	vm6 =	vgt.s32 v36, $0xFFF;
	v23 =	vsel vm5, v5, v23  }
0xfe: {  	v24 =	vsel vm6, $0xFFF, v36;
	_ =	sdelay $0x3  }
0xff: {  	[tilespmem:v23+s16+$0x0] =	vst.idx.msk $0xffff, v0  }
0x100: {  	v23 =	vld.idx.msk [tilespmem:v24+s2+$0x0], $0xffff;
	_ =	sdelay $0x3  }
0x101: {  	v37 =	vsel vm6, $0x1, v22  }
0x102: {  	s31 =	sadd.s32 $0xB0, s23;
	v23 =	vadd.s32 v37, v23  }
0x103: {  	v38 =	vadd.s32 s31, v2;
	vm7 =	vgt.s32 v23, $0xFF;
	v23 =	vadd.s32 v7, v23  }
0x104: {  	vm8 =	vgt.s32 v38, $0xFFF;
	v23 =	vsel vm7, v7, v23  }
0x105: {  	v24 =	vsel vm8, $0xFFF, v38;
	_ =	sdelay $0x3  }
0x106: {  	[tilespmem:v23+s16+$0x0] =	vst.idx.msk $0xffff, v0  }
0x107: {  	v23 =	vld.idx.msk [tilespmem:v24+s2+$0x0], $0xffff;
	_ =	sdelay $0x3  }
0x108: {  	v39 =	vsel vm8, $0x1, v22  }
0x109: {  	v23 =	vadd.s32 v39, v23  }
0x10a: {  	vm9 =	vgt.s32 v23, $0xFF;
	v23 =	vadd.s32 v9, v23  }
0x10b: {  	s31 =	sadd.s32 $0x180, s23;
	v23 =	vsel vm9, v9, v23  }
0x10c: {  	v40 =	vor.u32 s31, v2;
	_ =	sdelay $0x3  }
0x10d: {  	[tilespmem:v23+s16+$0x0] =	vst.idx.msk $0xffff, v0  }
0x10e: {  	v23 =	vld.idx.msk [tilespmem:v40+s2+$0x0], $0xffff;
	_ =	sdelay $0x1  }
0x10f: {  	v41 =	vmov s31  }
0x110: {  	vm10 =	vgt.u32 v41, $0xFFF  }
0x111: {  	v24 =	vsel vm10, $0x1, v22  }
0x112: {  	s31 =	sadd.s32 $0x190, s23;
	v23 =	vadd.s32 v24, v23  }
0x113: {  	v42 =	vadd.s32 s31, v2;
	vm11 =	vgt.s32 v23, $0xFF;
	v23 =	vadd.s32 v1, v23  }
0x114: {  	vm12 =	vlt.s32 v42, $0xFFF;
	v23 =	vsel vm11, v1, v23  }
0x115: {  	v43 =	vnsel vm12, $0xFFF, v42;
	_ =	sdelay $0x3  }
0x116: {  	[tilespmem:v23+s16+$0x0] =	vst.idx.msk $0xffff, v3  }
0x117: {  	v23 =	vld.idx.msk [tilespmem:v43+s2+$0x0], $0xffff;
	_ =	sdelay $0x2  }
0x118: {  	vm13 =	vgt.u32 v42, $0xFFF  }
0x119: {  	v24 =	vsel vm13, $0x1, v22  }
0x11a: {  	s31 =	sadd.s32 $0x1A0, s23;
	v23 =	vadd.s32 v24, v23  }
0x11b: {  	v44 =	vor.u32 s31, v2;
	vm14 =	vgt.s32 v23, $0xFF;
	v23 =	vadd.s32 v5, v23  }
0x11c: {  	vm15 =	vlt.s32 v44, $0xFFF;
	v23 =	vsel vm14, v5, v23  }
0x11d: {  	v24 =	vnsel vm15, $0xFFF, v44;
	_ =	sdelay $0x3  }
0x11e: {  	[tilespmem:v23+s16+$0x0] =	vst.idx.msk $0xffff, v3  }
0x11f: {  	v23 =	vld.idx.msk [tilespmem:v24+s2+$0x0], $0xffff;
	_ =	sdelay $0x1  }
0x120: {  	v45 =	vmov s31  }
0x121: {  	vm4 =	vgt.u32 v45, $0xFFF  }
0x122: {  	v24 =	vsel vm4, $0x1, v22  }
0x123: {  	s31 =	sadd.s32 $0x1B0, s23;
	v23 =	vadd.s32 v24, v23  }
0x124: {  	v46 =	vadd.s32 s31, v2;
	vm5 =	vgt.s32 v23, $0xFF;
	v23 =	vadd.s32 v7, v23  }
0x125: {  	vm6 =	vlt.s32 v46, $0xFFF;
	v23 =	vsel vm5, v7, v23  }
0x126: {  	v47 =	vnsel vm6, $0xFFF, v46;
	_ =	sdelay $0x3  }
0x127: {  	[tilespmem:v23+s16+$0x0] =	vst.idx.msk $0xffff, v3  }
0x128: {  	v23 =	vld.idx.msk [tilespmem:v47+s2+$0x0], $0xffff;
	_ =	sdelay $0x2  }
0x129: {  	vm7 =	vgt.u32 v46, $0xFFF  }
0x12a: {  	v24 =	vsel vm7, $0x1, v22  }
0x12b: {  	v23 =	vadd.s32 v24, v23  }
0x12c: {  	vm8 =	vgt.s32 v23, $0xFF;
	v23 =	vadd.s32 v9, v23  }
0x12d: {  	v23 =	vsel vm8, v9, v23;
	_ =	sdelay $0x1  }
0x12e: {  	s31 =	sadd.s32 $0xC0, s23  }
0x12f: {  	v48 =	vor.u32 s31, v2  }
0x130: {  	vm9 =	vgt.s32 v48, $0xFFF  }
0x131: {  	[tilespmem:v23+s16+$0x0] =	vst.idx.msk $0xffff, v3;
	v23 =	vsel vm9, $0xFFF, v48  }
0x132: {  	[hbm4b:s25+s2] =	stream.linear.scatter [tilespmem:s16], [sflag:$0x3], $0x4000, $0x38;
	[tilespmem:$0x11000] =	vst v63  }
0x133: {  	_ =	swait.ge [sflag:s21], $0x4000  }
0x134: {  	[sflag:s21] =	ssyncset.done $0x0  }
0x135: {  	[sflag:s21] =	ssyncadd.s32 $0xFFFFC000  }
0x136: {  	v23 =	vld.idx.msk [tilespmem:v23+s2+$0x0], $0xffff;
	_ =	sdelay $0x3  }
0x137: {  	v49 =	vsel vm9, $0x1, v22  }
0x138: {  	s31 =	sadd.s32 $0xD0, s23;
	v23 =	vadd.s32 v49, v23  }
0x139: {  	v50 =	vadd.s32 s31, v2;
	vm10 =	vgt.s32 v23, $0xFF;
	v23 =	vadd.s32 v1, v23  }
0x13a: {  	vm11 =	vgt.s32 v50, $0xFFF;
	v23 =	vsel vm10, v1, v23  }
0x13b: {  	v24 =	vsel vm11, $0xFFF, v50;
	_ =	sdelay $0x3  }
0x13c: {  	[tilespmem:v23+s17+$0x0] =	vst.idx.msk $0xffff, v0  }
0x13d: {  	v23 =	vld.idx.msk [tilespmem:v24+s2+$0x0], $0xffff;
	_ =	sdelay $0x3  }
0x13e: {  	v51 =	vsel vm11, $0x1, v22  }
0x13f: {  	s31 =	sadd.s32 $0xE0, s23;
	v23 =	vadd.s32 v51, v23  }
0x140: {  	v52 =	vor.u32 s31, v2;
	vm12 =	vgt.s32 v23, $0xFF;
	v23 =	vadd.s32 v5, v23  }
0x141: {  	vm13 =	vgt.s32 v52, $0xFFF;
	v23 =	vsel vm12, v5, v23  }
0x142: {  	v24 =	vsel vm13, $0xFFF, v52;
	_ =	sdelay $0x3  }
0x143: {  	[tilespmem:v23+s17+$0x0] =	vst.idx.msk $0xffff, v0  }
0x144: {  	v23 =	vld.idx.msk [tilespmem:v24+s2+$0x0], $0xffff;
	_ =	sdelay $0x3  }
0x145: {  	v53 =	vsel vm13, $0x1, v22  }
0x146: {  	s31 =	sadd.s32 $0xF0, s23;
	v23 =	vadd.s32 v53, v23  }
0x147: {  	v54 =	vadd.s32 s31, v2;
	vm14 =	vgt.s32 v23, $0xFF;
	v23 =	vadd.s32 v7, v23  }
0x148: {  	vm15 =	vgt.s32 v54, $0xFFF;
	v23 =	vsel vm14, v7, v23  }
0x149: {  	v24 =	vsel vm15, $0xFFF, v54;
	_ =	sdelay $0x3  }
0x14a: {  	[tilespmem:v23+s17+$0x0] =	vst.idx.msk $0xffff, v0  }
0x14b: {  	v23 =	vld.idx.msk [tilespmem:v24+s2+$0x0], $0xffff;
	_ =	sdelay $0x3  }
0x14c: {  	v55 =	vsel vm15, $0x1, v22  }
0x14d: {  	v23 =	vadd.s32 v55, v23  }
0x14e: {  	vm4 =	vgt.s32 v23, $0xFF;
	v23 =	vadd.s32 v9, v23  }
0x14f: {  	s31 =	sadd.s32 $0x1C0, s23;
	v23 =	vsel vm4, v9, v23  }
0x150: {  	v56 =	vor.u32 s31, v2;
	_ =	sdelay $0x3  }
0x151: {  	[tilespmem:v23+s17+$0x0] =	vst.idx.msk $0xffff, v0  }
0x152: {  	v23 =	vld.idx.msk [tilespmem:v56+s2+$0x0], $0xffff;
	_ =	sdelay $0x1  }
0x153: {  	v57 =	vmov s31  }
0x154: {  	vm5 =	vgt.u32 v57, $0xFFF  }
0x155: {  	v24 =	vsel vm5, $0x1, v22  }
0x156: {  	s31 =	sadd.s32 $0x1D0, s23;
	v23 =	vadd.s32 v24, v23  }
0x157: {  	v58 =	vadd.s32 s31, v2;
	vm6 =	vgt.s32 v23, $0xFF;
	v23 =	vadd.s32 v1, v23  }
0x158: {  	vm7 =	vlt.s32 v58, $0xFFF;
	v23 =	vsel vm6, v1, v23  }
0x159: {  	v59 =	vnsel vm7, $0xFFF, v58;
	_ =	sdelay $0x3  }
0x15a: {  	[tilespmem:v23+s17+$0x0] =	vst.idx.msk $0xffff, v3  }
0x15b: {  	v23 =	vld.idx.msk [tilespmem:v59+s2+$0x0], $0xffff;
	_ =	sdelay $0x2  }
0x15c: {  	vm8 =	vgt.u32 v58, $0xFFF  }
0x15d: {  	v24 =	vsel vm8, $0x1, v22  }
0x15e: {  	s31 =	sadd.s32 $0x1E0, s23;
	v23 =	vadd.s32 v24, v23  }
0x15f: {  	v60 =	vor.u32 s31, v2;
	vm9 =	vgt.s32 v23, $0xFF;
	v23 =	vadd.s32 v5, v23  }
0x160: {  	vm10 =	vlt.s32 v60, $0xFFF;
	v23 =	vsel vm9, v5, v23  }
0x161: {  	v24 =	vnsel vm10, $0xFFF, v60;
	_ =	sdelay $0x3  }
0x162: {  	[tilespmem:v23+s17+$0x0] =	vst.idx.msk $0xffff, v3  }
0x163: {  	v23 =	vld.idx.msk [tilespmem:v24+s2+$0x0], $0xffff;
	_ =	sdelay $0x1  }
0x164: {  	v61 =	vmov s31  }
0x165: {  	vm11 =	vgt.u32 v61, $0xFFF  }
0x166: {  	v24 =	vsel vm11, $0x1, v22  }
0x167: {  	s31 =	sadd.s32 $0x1F0, s23;
	v23 =	vadd.s32 v24, v23  }
0x168: {  	v62 =	vadd.s32 s31, v2;
	vm12 =	vgt.s32 v23, $0xFF;
	v23 =	vadd.s32 v7, v23  }
0x169: {  	vm13 =	vlt.s32 v62, $0xFFF;
	v23 =	vsel vm12, v7, v23  }
0x16a: {  	v63 =	vnsel vm13, $0xFFF, v62;
	_ =	sdelay $0x3  }
0x16b: {  	[tilespmem:v23+s17+$0x0] =	vst.idx.msk $0xffff, v3  }
0x16c: {  	v23 =	vld.idx.msk [tilespmem:v63+s2+$0x0], $0xffff;
	_ =	sdelay $0x2  }
0x16d: {  	vm14 =	vgt.u32 v62, $0xFFF  }
0x16e: {  	v24 =	vsel vm14, $0x1, v22  }
0x16f: {  	v23 =	vadd.s32 v24, v23  }
0x170: {  	vm15 =	vgt.s32 v23, $0xFF;
	v23 =	vadd.s32 v9, v23  }
0x171: {  	v23 =	vsel vm15, v9, v23;
	_ =	sdelay $0x1  }
0x172: {  	p0 =	sne.s32 s23, $0xE00  }
.Ltmp1:
0x173: {  	_ = 	snop;
	(pc) =	sbr.rel @p0 .LBB2_4-.Ltmp1, $4  }
0x174: {  	_ = 	snop  }
0x175: {  	s28 =	sadd.s32 $0x2000, s28;
	s23 =	smov.u32 s29;
	[tilespmem:v23+s17+$0x0] =	vst.idx.msk $0xffff, v3  }
0x176: {  	[hbm4b:s26+s2] =	stream.linear.scatter [tilespmem:s17], [sflag:$0x4], $0x4000, $0x38;
	[tilespmem:$0x11000] =	vst v63  }
0x177: {  	s24 =	sadd.s32 $0x2000, s24;
	s25 =	sadd.s32 $0x2000, s25;
	s26 =	sadd.s32 $0x2000, s26  }
0x178: {  	_ =	swait.ge [sflag:s18], $0x4000  }
0x179: {  	[sflag:s18] =	ssyncset.done $0x0  }
0x17a: {  	[sflag:s18] =	ssyncadd.s32 $0xFFFFC000  }
0x17b: {  	_ =	swait.ge [sflag:s19], $0x4000  }
0x17c: {  	[sflag:s19] =	ssyncset.done $0x0  }
0x17d: {  	s22 =	sadd.s32 $0x1, s22;
	[sflag:s19] =	ssyncadd.s32 $0xFFFFC000  }
0x17e: {  	p0 =	sne.s32 s22, s8;
	_ =	swait.ge [sflag:s20], $0x4000  }
.Ltmp2:
0x17f: {  	[sflag:s20] =	ssyncset.done $0x0;
	(pc) =	sbr.rel @p0 .LBB2_1-.Ltmp2, $4  }
0x180: {  	[sflag:s20] =	ssyncadd.s32 $0xFFFFC000  }
0x181: {  	_ =	swait.ge [sflag:s21], $0x4000  }
0x182: {  	[sflag:s21] =	ssyncset.done $0x0  }
0x183: {  	[sflag:s21] =	ssyncadd.s32 $0xFFFFC000  }
0x184: {  	_ =	sfence.sel $0x180000  }
0x185: {  	[bflag:$0x0] =	sbarrier.arrive $0xFFFF  }
0x186: {  	p0 =	sne.s32 s1, $0x0;
	_ =	strace $0x90000047  }
0x187: {  	s0 =	sadd.s32 @!p0 $0x100000, s0;
	[bflag:$0x2] =	sbarrier.arrive $0xFFFF  }
0x188: {  	[sflag:s0] =	ssyncadd.tile.s32 @!p0 $0x1;
	_ =	shalt  }
.Lfunc_end2:
_tile_overlayer_lowered:
.L_overlay_start_2:
0x189: {  	(tag) =	ssettag $0x2  }
0x18a: {  	s0 =	rddreg [dreg:$0x0];
	s2 =	stileid.u32  }
0x18b: {  	s1 =	rddreg [dreg:$0x1];
	p0 =	sne.s32 s2, $0x0  }
0x18c: {  	s3 =	rddreg [dreg:$0x2];
	[bflag:$0x3] =	sbarrier.arrive $0xFFFF;
	s2 =	simm.s32 @!p0 $0x1C05  }
0x18d: {  	[timem:s3], [sflag:s2] =	dma.local @!p0 [hbm:s0], s1  }
0x18e: {  	s0 =	simm.s32 @!p0 $0x5  }
0x18f: {  	_ =	swait.ge @!p0 [sflag:s0], s1  }
0x190: {  	s1 =	ssub.s32 @!p0 $0x0, s1;
	[sflag:s0] =	ssyncset.done @!p0 $0x0  }
0x191: {  	[sflag:s0] =	ssyncadd.s32 @!p0 s1  }
0x192: {  	[bflag:$0x3] =	sbarrier.arrive $0xFFFF  }
0x193: {  	_ =	shalt  }

</sc_bundles>
